<compile_context>
chip_gen: v7x
topology: tpu7x:2x2x1
jax: 0.10.2.dev20260603
libtpu: 0.0.44.dev20260713+nightly
codegen_flags: <defaults>
</compile_context>

<pallas_src>
import functools
from math import sqrt

import jax
import jax.numpy as jnp
from jax import lax
from jax.experimental import pallas as pl
from jax.experimental.pallas import tpu as pltpu
from jax.experimental.pallas import tpu_sc as plsc

_MODEL_DIM = 64
_SCALE = sqrt(_MODEL_DIM)


def _make_sc_gather(vocab, dim, n_seq, n_batch):
    info = plsc.get_sparse_core_info()
    nc, ns, lanes = info.num_cores, info.num_subcores, info.num_lanes
    nw = nc * ns
    assert n_batch % nw == 0
    slab = n_batch // nw
    ch = slab // 2
    n_chunks = 2 * n_seq
    n_tok = n_seq * n_batch
    mesh = plsc.VectorSubcoreMesh(core_axis_name="c", subcore_axis_name="s")

    @functools.partial(
        pl.kernel,
        mesh=mesh,
        compiler_params=pltpu.CompilerParams(
            use_tc_tiling_on_sc=True, needs_layout_passes=False
        ),
        out_type=(
            jax.ShapeDtypeStruct((n_tok, 2 * dim), jnp.float32),
            jax.ShapeDtypeStruct((n_tok,), jnp.int32),
        ),
        scratch_types=[
            pltpu.VMEM((ch,), jnp.int32),
            pltpu.VMEM((ch,), jnp.int32),
            pltpu.VMEM((ch,), jnp.int32),
            pltpu.VMEM((ch,), jnp.int32),
            pltpu.VMEM((ch, 2 * dim), jnp.float32),
            pltpu.VMEM((ch, 2 * dim), jnp.float32),
            pltpu.SemaphoreType.DMA,
            pltpu.SemaphoreType.DMA,
            pltpu.SemaphoreType.DMA,
            pltpu.SemaphoreType.DMA,
        ],
    )
    def k(idx_hbm, table_hbm, m_hbm, par_hbm,
          i0, i1, p0, p1, a0, a1, g0, g1, o0, o1):
        wid = lax.axis_index("s") * nc + lax.axis_index("c")
        base = wid * slab
        ibuf, pbuf, abuf = (i0, i1), (p0, p1), (a0, a1)
        gs, os = (g0, g1), (o0, o1)

        def tok0(c):
            return (c // 2) * n_batch + base + (c % 2) * ch

        def idx_stage(c, b):
            pltpu.sync_copy(
                idx_hbm.at[c // 2, pl.ds(base + (c % 2) * ch, ch)], ibuf[b]
            )

            def prow(j, cc):
                sl = pl.ds(j * lanes, lanes)
                v16 = ibuf[b][sl]
                pbuf[b][sl] = lax.shift_right_logical(v16, 1)
                ibuf[b][sl] = v16 & 1
                return cc

            lax.fori_loop(0, ch // lanes, prow, 0, unroll=4)

        def gather(b):
            pltpu.async_copy(table_hbm.at[pbuf[b]], abuf[b], gs[b])

        def gwait(b):
            pltpu.make_async_copy(table_hbm.at[pbuf[b]], abuf[b], gs[b]).wait()

        def out_start(c, b):
            pltpu.async_copy(abuf[b], m_hbm.at[pl.ds(tok0(c), ch)], os[b])
            pltpu.async_copy(ibuf[b], par_hbm.at[pl.ds(tok0(c), ch)], os[b])

        def out_wait(b):
            pltpu.make_async_copy(
                abuf[b], m_hbm.at[pl.ds(base, ch)], os[b]
            ).wait()
            pltpu.make_async_copy(
                ibuf[b], par_hbm.at[pl.ds(base, ch)], os[b]
            ).wait()

        idx_stage(0, 0)
        gather(0)

        def body(g, carry):
            c0 = 2 * g
            c1 = c0 + 1
            idx_stage(c1, 1)
            gather(1)
            gwait(0)
            out_start(c0, 0)

            @pl.when(c1 + 1 < n_chunks)
            def _():
                out_wait(0)
                idx_stage(c1 + 1, 0)
                gather(0)

            gwait(1)
            out_start(c1, 1)

            @pl.when(c1 + 1 < n_chunks)
            def _():
                out_wait(1)

            return carry

        lax.fori_loop(0, n_chunks // 2, body, 0)
        out_wait(0)
        out_wait(1)

    return k


def _tc_select_transpose(m, par, n_seq, dim, n_batch, blk):
    n_blk = n_batch // blk

    eye = jnp.eye(blk, dtype=jnp.bfloat16)

    def body(eye_ref, m_ref, par_ref, out_ref):
        rows = m_ref[...]
        rows_t = lax.dot_general(
            rows.astype(jnp.bfloat16), eye_ref[...],
            (((0,), (0,)), ((), ())),
            preferred_element_type=jnp.float32,
        )
        sel = par_ref[0] != 0
        vals = jnp.where(sel, rows_t[dim:], rows_t[:dim]) * _SCALE
        out_ref[...] = vals[None]

    return pl.pallas_call(
        body,
        grid=(n_seq, n_blk),
        in_specs=[
            pl.BlockSpec((blk, blk), lambda t, j: (0, 0)),
            pl.BlockSpec((blk, 2 * dim), lambda t, j: (t * n_blk + j, 0)),
            pl.BlockSpec((1, 1, blk), lambda t, j: (t * n_blk + j, 0, 0)),
        ],
        out_specs=pl.BlockSpec((1, dim, blk), lambda t, j: (t, 0, j)),
        out_shape=jax.ShapeDtypeStruct((n_seq, dim, n_batch), jnp.float32),
        compiler_params=pltpu.CompilerParams(
            dimension_semantics=("parallel", "parallel"),
            fuse_transposed_lhs_in_matmul=True,
        ),
    )(eye, m, par.reshape(n_seq * n_blk, 1, blk))


def kernel(inputs, weight):
    b, t = inputs.shape
    vocab, dim = weight.shape
    idx_t = inputs.T.astype(jnp.int32)
    table2 = weight.reshape(vocab // 2, 2 * dim)
    gather = _make_sc_gather(vocab, dim, t, b)
    m, par = gather(idx_t, table2)
    out_t = _tc_select_transpose(m, par, t, dim, b, 512)
    return out_t.transpose(2, 0, 1)

# --- scband reference (transcript-rebuilt; emitter-appended) ---
"""Pipeline reference for scband-token-embedding-91207925498169 (READ-ONLY COPY).

The authoritative reference and input builder live on the scoring server;
editing this copy changes nothing except your own understanding.
"""

import jax, jax.numpy as jnp
import numpy as np
from math import sqrt

VOCAB_SIZE = 1000000
MODEL_DIM = 64

def setup_inputs(seed: int = 0) -> dict:
    key = jax.random.key(seed)
    k1, k2 = jax.random.split(key)
    inputs = jax.random.randint(k1, (16384, 50), 0, VOCAB_SIZE, dtype=jnp.int64) if jax.config.read('jax_enable_x64') else jax.random.randint(k1, (16384, 50), 0, VOCAB_SIZE, dtype=jnp.int32)
    weight = jax.random.normal(k2, (VOCAB_SIZE, MODEL_DIM), dtype=jnp.float32)
    return {"inputs": inputs, "weight": weight}

def reference(inputs, weight):
    # TokenEmbedding.forward: self.weight[inputs] * sqrt(self.model_dim)
    return jnp.take(weight, inputs, axis=0) * sqrt(MODEL_DIM)

if __name__ == "__main__":
    import jax
    _d = setup_inputs()
    print(jax.jit(kernel)(*tuple(_d.values())))

</pallas_src>

<mosaic_0001>
#map = affine_map<(d0, d1) -> (0, 0)>
#map1 = affine_map<(d0, d1) -> (0)>
module attributes {stable_mosaic.version = 14 : i64} {
  func.func @k(%arg0: i32, %arg1: i32, %arg2: memref<50x16384xi32, #tpu.memory_space<hbm>>, %arg3: memref<500000x128xf32, #tpu.memory_space<hbm>>, %arg4: memref<819200x128xf32, #tpu.memory_space<hbm>>, %arg5: memref<819200xi32, #tpu.memory_space<hbm>>, %arg6: memref<256xi32, #tpu.memory_space<vmem>>, %arg7: memref<256xi32, #tpu.memory_space<vmem>>, %arg8: memref<256xi32, #tpu.memory_space<vmem>>, %arg9: memref<256xi32, #tpu.memory_space<vmem>>, %arg10: memref<256x128xf32, #tpu.memory_space<vmem>>, %arg11: memref<256x128xf32, #tpu.memory_space<vmem>>, %arg12: memref<!tpu.dma_semaphore, #tpu.memory_space<semaphore_mem>>, %arg13: memref<!tpu.dma_semaphore, #tpu.memory_space<semaphore_mem>>, %arg14: memref<!tpu.dma_semaphore, #tpu.memory_space<semaphore_mem>>, %arg15: memref<!tpu.dma_semaphore, #tpu.memory_space<semaphore_mem>>) attributes {dimension_semantics = [#tpu.dimension_semantics<core_parallel>, #tpu.dimension_semantics<subcore_parallel>], iteration_bounds = array<i64: 2, 16>, scalar_prefetch = 0 : i64, scratch_operands = 10 : i64, tpu.core_type = #tpu.core_type<sc_vector_subcore>, window_params = [{transform_indices = #map}, {transform_indices = #map}, {transform_indices = #map}, {transform_indices = #map1}]} {
    %mul3A = arith.constant 2 : i32
    %mul3A_0 = arith.muli %arg1, %mul3A : i32
    %add3A = arith.addi %mul3A_0, %arg0 : i32
    %mul3A_1 = arith.constant 512 : i32
    %mul3A_2 = arith.muli %add3A, %mul3A_1 : i32
    %add3A_3 = arith.constant 0 : i32
    %add3A_4 = arith.addi %mul3A_2, %add3A_3 : i32
    %run_scoped3A = arith.constant 0 : i32
    "tpu.region"() ({
      %run_scoped3A_29 = tpu.sem_alloc : memref<!tpu.dma_semaphore, #tpu.memory_space<semaphore_mem>>
      %dma_start3A_30 = tpu.memref_slice %arg2[%run_scoped3A, %add3A_4] : memref<50x16384xi32, #tpu.memory_space<hbm>> -> memref<1x256xi32, #tpu.memory_space<hbm>>
      %dma_start3A_31 = tpu.memref_squeeze %dma_start3A_30 : memref<1x256xi32, #tpu.memory_space<hbm>> -> memref<256xi32, #tpu.memory_space<hbm>>
      %dma_start3A_32 = tpu.memref_slice %arg2[%run_scoped3A, %add3A_4] : memref<50x16384xi32, #tpu.memory_space<hbm>> -> memref<1x256xi32, #tpu.memory_space<hbm>>
      %dma_start3A_33 = tpu.memref_squeeze %dma_start3A_32 : memref<1x256xi32, #tpu.memory_space<hbm>> -> memref<256xi32, #tpu.memory_space<hbm>>
      tpu.enqueue_dma source(%dma_start3A_33 : memref<256xi32, #tpu.memory_space<hbm>>) target(%arg6 : memref<256xi32, #tpu.memory_space<vmem>>) target_semaphore(%run_scoped3A_29 : memref<!tpu.dma_semaphore, #tpu.memory_space<semaphore_mem>>)
      %dma_wait3A_34 = tpu.memref_slice %arg2[%run_scoped3A, %add3A_4] : memref<50x16384xi32, #tpu.memory_space<hbm>> -> memref<1x256xi32, #tpu.memory_space<hbm>>
      %dma_wait3A_35 = tpu.memref_squeeze %dma_wait3A_34 : memref<1x256xi32, #tpu.memory_space<hbm>> -> memref<256xi32, #tpu.memory_space<hbm>>
      %dma_wait3A_36 = tpu.memref_slice %arg2[%run_scoped3A, %add3A_4] : memref<50x16384xi32, #tpu.memory_space<hbm>> -> memref<1x256xi32, #tpu.memory_space<hbm>>
      %dma_wait3A_37 = tpu.memref_squeeze %dma_wait3A_36 : memref<1x256xi32, #tpu.memory_space<hbm>> -> memref<256xi32, #tpu.memory_space<hbm>>
      tpu.wait_dma2 semaphore(%run_scoped3A_29 : memref<!tpu.dma_semaphore, #tpu.memory_space<semaphore_mem>>) src(%dma_wait3A_37 : memref<256xi32, #tpu.memory_space<hbm>>) dst(%arg6 : memref<256xi32, #tpu.memory_space<vmem>>)
      tpu.yield
    }) : () -> ()
    %scan3A = arith.constant 0 : i32
    %scan3A_5 = arith.constant 0 : i32
    %scan3A_6 = arith.constant 16 : i32
    %scan3A_7 = arith.addi %scan3A_5, %scan3A_6 : i32
    %scan3A_8 = arith.constant 4 : i32
    scf.for %scan3A_29 = %scan3A_5 to %scan3A_7 step %scan3A_8  : i32 {
      %mul3A_30 = arith.constant 16 : i32
      %mul3A_31 = arith.muli %scan3A_29, %mul3A_30 : i32
      %get3A = arith.index_cast %mul3A_31 : i32 to index
      %get3A_32 = tpu.vector_load %arg6[%get3A] {strides = array<i32>} : memref<256xi32, #tpu.memory_space<vmem>>, vector<16xi32>,
      %shift_right_logical3A = arith.constant 1 : i32
      %shift_right_logical3A_33 = vector.broadcast %shift_right_logical3A : i32 to vector<16xi32>
      %shift_right_logical3A_34 = arith.shrui %get3A_32, %shift_right_logical3A_33 : vector<16xi32>
      %swap3A = arith.index_cast %mul3A_31 : i32 to index
      %swap3A_35 = tpu.vector_load %arg8[%swap3A] {strides = array<i32>} : memref<256xi32, #tpu.memory_space<vmem>>, vector<16xi32>,
      tpu.vector_store %arg8[%swap3A], %shift_right_logical3A_34 {strides = array<i32>} : memref<256xi32, #tpu.memory_space<vmem>>, vector<16xi32>,
      %and3A = arith.constant 1 : i32
      %and3A_36 = vector.broadcast %and3A : i32 to vector<16xi32>
      %and3A_37 = arith.andi %get3A_32, %and3A_36 : vector<16xi32>
      %swap3A_38 = arith.index_cast %mul3A_31 : i32 to index
      %swap3A_39 = tpu.vector_load %arg6[%swap3A_38] {strides = array<i32>} : memref<256xi32, #tpu.memory_space<vmem>>, vector<16xi32>,
      tpu.vector_store %arg6[%swap3A_38], %and3A_37 {strides = array<i32>} : memref<256xi32, #tpu.memory_space<vmem>>, vector<16xi32>,
      %scan3A_40 = arith.constant 1 : i32
      %scan3A_41 = arith.addi %scan3A_29, %scan3A_40 : i32
      %mul3A_42 = arith.constant 16 : i32
      %mul3A_43 = arith.muli %scan3A_41, %mul3A_42 : i32
      %get3A_44 = arith.index_cast %mul3A_43 : i32 to index
      %get3A_45 = tpu.vector_load %arg6[%get3A_44] {strides = array<i32>} : memref<256xi32, #tpu.memory_space<vmem>>, vector<16xi32>,
      %shift_right_logical3A_46 = arith.constant 1 : i32
      %shift_right_logical3A_47 = vector.broadcast %shift_right_logical3A_46 : i32 to vector<16xi32>
      %shift_right_logical3A_48 = arith.shrui %get3A_45, %shift_right_logical3A_47 : vector<16xi32>
      %swap3A_49 = arith.index_cast %mul3A_43 : i32 to index
      %swap3A_50 = tpu.vector_load %arg8[%swap3A_49] {strides = array<i32>} : memref<256xi32, #tpu.memory_space<vmem>>, vector<16xi32>,
      tpu.vector_store %arg8[%swap3A_49], %shift_right_logical3A_48 {strides = array<i32>} : memref<256xi32, #tpu.memory_space<vmem>>, vector<16xi32>,
      %and3A_51 = arith.constant 1 : i32
      %and3A_52 = vector.broadcast %and3A_51 : i32 to vector<16xi32>
      %and3A_53 = arith.andi %get3A_45, %and3A_52 : vector<16xi32>
      %swap3A_54 = arith.index_cast %mul3A_43 : i32 to index
      %swap3A_55 = tpu.vector_load %arg6[%swap3A_54] {strides = array<i32>} : memref<256xi32, #tpu.memory_space<vmem>>, vector<16xi32>,
      tpu.vector_store %arg6[%swap3A_54], %and3A_53 {strides = array<i32>} : memref<256xi32, #tpu.memory_space<vmem>>, vector<16xi32>,
      %scan3A_56 = arith.constant 2 : i32
      %scan3A_57 = arith.addi %scan3A_29, %scan3A_56 : i32
      %mul3A_58 = arith.constant 16 : i32
      %mul3A_59 = arith.muli %scan3A_57, %mul3A_58 : i32
      %get3A_60 = arith.index_cast %mul3A_59 : i32 to index
      %get3A_61 = tpu.vector_load %arg6[%get3A_60] {strides = array<i32>} : memref<256xi32, #tpu.memory_space<vmem>>, vector<16xi32>,
      %shift_right_logical3A_62 = arith.constant 1 : i32
      %shift_right_logical3A_63 = vector.broadcast %shift_right_logical3A_62 : i32 to vector<16xi32>
      %shift_right_logical3A_64 = arith.shrui %get3A_61, %shift_right_logical3A_63 : vector<16xi32>
      %swap3A_65 = arith.index_cast %mul3A_59 : i32 to index
      %swap3A_66 = tpu.vector_load %arg8[%swap3A_65] {strides = array<i32>} : memref<256xi32, #tpu.memory_space<vmem>>, vector<16xi32>,
      tpu.vector_store %arg8[%swap3A_65], %shift_right_logical3A_64 {strides = array<i32>} : memref<256xi32, #tpu.memory_space<vmem>>, vector<16xi32>,
      %and3A_67 = arith.constant 1 : i32
      %and3A_68 = vector.broadcast %and3A_67 : i32 to vector<16xi32>
      %and3A_69 = arith.andi %get3A_61, %and3A_68 : vector<16xi32>
      %swap3A_70 = arith.index_cast %mul3A_59 : i32 to index
      %swap3A_71 = tpu.vector_load %arg6[%swap3A_70] {strides = array<i32>} : memref<256xi32, #tpu.memory_space<vmem>>, vector<16xi32>,
      tpu.vector_store %arg6[%swap3A_70], %and3A_69 {strides = array<i32>} : memref<256xi32, #tpu.memory_space<vmem>>, vector<16xi32>,
      %scan3A_72 = arith.constant 3 : i32
      %scan3A_73 = arith.addi %scan3A_29, %scan3A_72 : i32
      %mul3A_74 = arith.constant 16 : i32
      %mul3A_75 = arith.muli %scan3A_73, %mul3A_74 : i32
      %get3A_76 = arith.index_cast %mul3A_75 : i32 to index
      %get3A_77 = tpu.vector_load %arg6[%get3A_76] {strides = array<i32>} : memref<256xi32, #tpu.memory_space<vmem>>, vector<16xi32>,
      %shift_right_logical3A_78 = arith.constant 1 : i32
      %shift_right_logical3A_79 = vector.broadcast %shift_right_logical3A_78 : i32 to vector<16xi32>
      %shift_right_logical3A_80 = arith.shrui %get3A_77, %shift_right_logical3A_79 : vector<16xi32>
      %swap3A_81 = arith.index_cast %mul3A_75 : i32 to index
      %swap3A_82 = tpu.vector_load %arg8[%swap3A_81] {strides = array<i32>} : memref<256xi32, #tpu.memory_space<vmem>>, vector<16xi32>,
      tpu.vector_store %arg8[%swap3A_81], %shift_right_logical3A_80 {strides = array<i32>} : memref<256xi32, #tpu.memory_space<vmem>>, vector<16xi32>,
      %and3A_83 = arith.constant 1 : i32
      %and3A_84 = vector.broadcast %and3A_83 : i32 to vector<16xi32>
      %and3A_85 = arith.andi %get3A_77, %and3A_84 : vector<16xi32>
      %swap3A_86 = arith.index_cast %mul3A_75 : i32 to index
      %swap3A_87 = tpu.vector_load %arg6[%swap3A_86] {strides = array<i32>} : memref<256xi32, #tpu.memory_space<vmem>>, vector<16xi32>,
      tpu.vector_store %arg6[%swap3A_86], %and3A_85 {strides = array<i32>} : memref<256xi32, #tpu.memory_space<vmem>>, vector<16xi32>,
    }
    %scan3A_9 = arith.constant 16 : i32
    %dma_start3A = arith.constant 0 : i32
    %dma_start3A_10 = arith.constant 0 : i32
    %dma_start3A_11 = tpu.memref_slice %arg3[%dma_start3A, %dma_start3A_10] : memref<500000x128xf32, #tpu.memory_space<hbm>> -> memref<500000x128xf32, #tpu.memory_space<hbm>>
    tpu.enqueue_indirect_dma source(%dma_start3A_11 : memref<500000x128xf32, #tpu.memory_space<hbm>>) target(%arg10 : memref<256x128xf32, #tpu.memory_space<vmem>>) offsets(%arg8 : memref<256xi32, #tpu.memory_space<vmem>>) semaphore(%arg12 : memref<!tpu.dma_semaphore, #tpu.memory_space<semaphore_mem>>)
    %scan3A_12 = arith.constant 0 : i32
    %scan3A_13 = arith.constant 0 : i32
    %scan3A_14 = arith.constant 50 : i32
    %scan3A_15 = arith.addi %scan3A_13, %scan3A_14 : i32
    %scan3A_16 = arith.constant 1 : i32
    scf.for %scan3A_29 = %scan3A_13 to %scan3A_15 step %scan3A_16  : i32 {
      %mul3A_30 = arith.constant 2 : i32
      %mul3A_31 = arith.muli %mul3A_30, %scan3A_29 : i32
      %add3A_32 = arith.constant 1 : i32
      %add3A_33 = arith.addi %mul3A_31, %add3A_32 : i32
      %jit3A = arith.constant 2 : i32
      %div3A = arith.divsi %add3A_33, %jit3A : i32
      %sign3A = arith.constant 0 : i32
      %sign3A_34 = arith.cmpi sgt, %add3A_33, %sign3A : i32
      %sign3A_35 = arith.extui %sign3A_34 : i1 to i32
      %sign3A_36 = arith.constant 0 : i32
      %sign3A_37 = arith.cmpi slt, %add3A_33, %sign3A_36 : i32
      %sign3A_38 = arith.extui %sign3A_37 : i1 to i32
      %sign3A_39 = arith.subi %sign3A_35, %sign3A_38 : i32
      %sign3A_40 = arith.constant 0 : i32
      %sign3A_41 = arith.cmpi sgt, %jit3A, %sign3A_40 : i32
      %sign3A_42 = arith.extui %sign3A_41 : i1 to i32
      %sign3A_43 = arith.constant 0 : i32
      %sign3A_44 = arith.cmpi slt, %jit3A, %sign3A_43 : i32
      %sign3A_45 = arith.extui %sign3A_44 : i1 to i32
      %sign3A_46 = arith.subi %sign3A_42, %sign3A_45 : i32
      %ne3A = arith.cmpi ne, %sign3A_39, %sign3A_46 : i32
      %rem3A = arith.remsi %add3A_33, %jit3A : i32
      %ne3A_47 = arith.constant 0 : i32
      %ne3A_48 = arith.cmpi ne, %rem3A, %ne3A_47 : i32
      %and3A = arith.andi %ne3A, %ne3A_48 : i1
      %sub3A = arith.constant 1 : i32
      %sub3A_49 = arith.subi %div3A, %sub3A : i32
      %select_n3A = arith.select %and3A, %sub3A_49, %div3A : i32
      %jit3A_50 = arith.constant 2 : i32
      %eq3A = arith.constant 0 : i32
      %eq3A_51 = arith.cmpi eq, %jit3A_50, %eq3A : i32
      %jit3A_52 = arith.constant 1 : i32
      %select_n3A_53 = arith.select %eq3A_51, %jit3A_52, %jit3A_50 : i32
      %rem3A_54 = arith.remsi %add3A_33, %select_n3A_53 : i32
      %ne3A_55 = arith.constant 0 : i32
      %ne3A_56 = arith.cmpi ne, %rem3A_54, %ne3A_55 : i32
      %lt3A = arith.constant 0 : i32
      %lt3A_57 = arith.cmpi slt, %rem3A_54, %lt3A : i32
      %lt3A_58 = arith.constant 0 : i32
      %lt3A_59 = arith.cmpi slt, %select_n3A_53, %lt3A_58 : i32
      %ne3A_60 = arith.xori %lt3A_57, %lt3A_59 : i1
      %and3A_61 = arith.andi %ne3A_60, %ne3A_56 : i1
      %add3A_62 = arith.addi %rem3A_54, %select_n3A_53 : i32
      %select_n3A_63 = arith.select %and3A_61, %add3A_62, %rem3A_54 : i32
      %mul3A_64 = arith.constant 256 : i32
      %mul3A_65 = arith.muli %select_n3A_63, %mul3A_64 : i32
      %add3A_66 = arith.addi %mul3A_2, %mul3A_65 : i32
      "tpu.region"() ({
        %run_scoped3A_290 = tpu.sem_alloc : memref<!tpu.dma_semaphore, #tpu.memory_space<semaphore_mem>>
        %dma_start3A_291 = tpu.memref_slice %arg2[%select_n3A, %add3A_66] : memref<50x16384xi32, #tpu.memory_space<hbm>> -> memref<1x256xi32, #tpu.memory_space<hbm>>
        %dma_start3A_292 = tpu.memref_squeeze %dma_start3A_291 : memref<1x256xi32, #tpu.memory_space<hbm>> -> memref<256xi32, #tpu.memory_space<hbm>>
        %dma_start3A_293 = tpu.memref_slice %arg2[%select_n3A, %add3A_66] : memref<50x16384xi32, #tpu.memory_space<hbm>> -> memref<1x256xi32, #tpu.memory_space<hbm>>
        %dma_start3A_294 = tpu.memref_squeeze %dma_start3A_293 : memref<1x256xi32, #tpu.memory_space<hbm>> -> memref<256xi32, #tpu.memory_space<hbm>>
        tpu.enqueue_dma source(%dma_start3A_294 : memref<256xi32, #tpu.memory_space<hbm>>) target(%arg7 : memref<256xi32, #tpu.memory_space<vmem>>) target_semaphore(%run_scoped3A_290 : memref<!tpu.dma_semaphore, #tpu.memory_space<semaphore_mem>>)
        %dma_wait3A_295 = tpu.memref_slice %arg2[%select_n3A, %add3A_66] : memref<50x16384xi32, #tpu.memory_space<hbm>> -> memref<1x256xi32, #tpu.memory_space<hbm>>
        %dma_wait3A_296 = tpu.memref_squeeze %dma_wait3A_295 : memref<1x256xi32, #tpu.memory_space<hbm>> -> memref<256xi32, #tpu.memory_space<hbm>>
        %dma_wait3A_297 = tpu.memref_slice %arg2[%select_n3A, %add3A_66] : memref<50x16384xi32, #tpu.memory_space<hbm>> -> memref<1x256xi32, #tpu.memory_space<hbm>>
        %dma_wait3A_298 = tpu.memref_squeeze %dma_wait3A_297 : memref<1x256xi32, #tpu.memory_space<hbm>> -> memref<256xi32, #tpu.memory_space<hbm>>
        tpu.wait_dma2 semaphore(%run_scoped3A_290 : memref<!tpu.dma_semaphore, #tpu.memory_space<semaphore_mem>>) src(%dma_wait3A_298 : memref<256xi32, #tpu.memory_space<hbm>>) dst(%arg7 : memref<256xi32, #tpu.memory_space<vmem>>)
        tpu.yield
      }) : () -> ()
      %scan3A_67 = arith.constant 0 : i32
      %scan3A_68 = arith.constant 0 : i32
      %scan3A_69 = arith.constant 16 : i32
      %scan3A_70 = arith.addi %scan3A_68, %scan3A_69 : i32
      %scan3A_71 = arith.constant 4 : i32
      scf.for %scan3A_290 = %scan3A_68 to %scan3A_70 step %scan3A_71  : i32 {
        %mul3A_291 = arith.constant 16 : i32
        %mul3A_292 = arith.muli %scan3A_290, %mul3A_291 : i32
        %get3A = arith.index_cast %mul3A_292 : i32 to index
        %get3A_293 = tpu.vector_load %arg7[%get3A] {strides = array<i32>} : memref<256xi32, #tpu.memory_space<vmem>>, vector<16xi32>,
        %shift_right_logical3A = arith.constant 1 : i32
        %shift_right_logical3A_294 = vector.broadcast %shift_right_logical3A : i32 to vector<16xi32>
        %shift_right_logical3A_295 = arith.shrui %get3A_293, %shift_right_logical3A_294 : vector<16xi32>
        %swap3A = arith.index_cast %mul3A_292 : i32 to index
        %swap3A_296 = tpu.vector_load %arg9[%swap3A] {strides = array<i32>} : memref<256xi32, #tpu.memory_space<vmem>>, vector<16xi32>,
        tpu.vector_store %arg9[%swap3A], %shift_right_logical3A_295 {strides = array<i32>} : memref<256xi32, #tpu.memory_space<vmem>>, vector<16xi32>,
        %and3A_297 = arith.constant 1 : i32
        %and3A_298 = vector.broadcast %and3A_297 : i32 to vector<16xi32>
        %and3A_299 = arith.andi %get3A_293, %and3A_298 : vector<16xi32>
        %swap3A_300 = arith.index_cast %mul3A_292 : i32 to index
        %swap3A_301 = tpu.vector_load %arg7[%swap3A_300] {strides = array<i32>} : memref<256xi32, #tpu.memory_space<vmem>>, vector<16xi32>,
        tpu.vector_store %arg7[%swap3A_300], %and3A_299 {strides = array<i32>} : memref<256xi32, #tpu.memory_space<vmem>>, vector<16xi32>,
        %scan3A_302 = arith.constant 1 : i32
        %scan3A_303 = arith.addi %scan3A_290, %scan3A_302 : i32
        %mul3A_304 = arith.constant 16 : i32
        %mul3A_305 = arith.muli %scan3A_303, %mul3A_304 : i32
        %get3A_306 = arith.index_cast %mul3A_305 : i32 to index
        %get3A_307 = tpu.vector_load %arg7[%get3A_306] {strides = array<i32>} : memref<256xi32, #tpu.memory_space<vmem>>, vector<16xi32>,
        %shift_right_logical3A_308 = arith.constant 1 : i32
        %shift_right_logical3A_309 = vector.broadcast %shift_right_logical3A_308 : i32 to vector<16xi32>
        %shift_right_logical3A_310 = arith.shrui %get3A_307, %shift_right_logical3A_309 : vector<16xi32>
        %swap3A_311 = arith.index_cast %mul3A_305 : i32 to index
        %swap3A_312 = tpu.vector_load %arg9[%swap3A_311] {strides = array<i32>} : memref<256xi32, #tpu.memory_space<vmem>>, vector<16xi32>,
        tpu.vector_store %arg9[%swap3A_311], %shift_right_logical3A_310 {strides = array<i32>} : memref<256xi32, #tpu.memory_space<vmem>>, vector<16xi32>,
        %and3A_313 = arith.constant 1 : i32
        %and3A_314 = vector.broadcast %and3A_313 : i32 to vector<16xi32>
        %and3A_315 = arith.andi %get3A_307, %and3A_314 : vector<16xi32>
        %swap3A_316 = arith.index_cast %mul3A_305 : i32 to index
        %swap3A_317 = tpu.vector_load %arg7[%swap3A_316] {strides = array<i32>} : memref<256xi32, #tpu.memory_space<vmem>>, vector<16xi32>,
        tpu.vector_store %arg7[%swap3A_316], %and3A_315 {strides = array<i32>} : memref<256xi32, #tpu.memory_space<vmem>>, vector<16xi32>,
        %scan3A_318 = arith.constant 2 : i32
        %scan3A_319 = arith.addi %scan3A_290, %scan3A_318 : i32
        %mul3A_320 = arith.constant 16 : i32
        %mul3A_321 = arith.muli %scan3A_319, %mul3A_320 : i32
        %get3A_322 = arith.index_cast %mul3A_321 : i32 to index
        %get3A_323 = tpu.vector_load %arg7[%get3A_322] {strides = array<i32>} : memref<256xi32, #tpu.memory_space<vmem>>, vector<16xi32>,
        %shift_right_logical3A_324 = arith.constant 1 : i32
        %shift_right_logical3A_325 = vector.broadcast %shift_right_logical3A_324 : i32 to vector<16xi32>
        %shift_right_logical3A_326 = arith.shrui %get3A_323, %shift_right_logical3A_325 : vector<16xi32>
        %swap3A_327 = arith.index_cast %mul3A_321 : i32 to index
        %swap3A_328 = tpu.vector_load %arg9[%swap3A_327] {strides = array<i32>} : memref<256xi32, #tpu.memory_space<vmem>>, vector<16xi32>,
        tpu.vector_store %arg9[%swap3A_327], %shift_right_logical3A_326 {strides = array<i32>} : memref<256xi32, #tpu.memory_space<vmem>>, vector<16xi32>,
        %and3A_329 = arith.constant 1 : i32
        %and3A_330 = vector.broadcast %and3A_329 : i32 to vector<16xi32>
        %and3A_331 = arith.andi %get3A_323, %and3A_330 : vector<16xi32>
        %swap3A_332 = arith.index_cast %mul3A_321 : i32 to index
        %swap3A_333 = tpu.vector_load %arg7[%swap3A_332] {strides = array<i32>} : memref<256xi32, #tpu.memory_space<vmem>>, vector<16xi32>,
        tpu.vector_store %arg7[%swap3A_332], %and3A_331 {strides = array<i32>} : memref<256xi32, #tpu.memory_space<vmem>>, vector<16xi32>,
        %scan3A_334 = arith.constant 3 : i32
        %scan3A_335 = arith.addi %scan3A_290, %scan3A_334 : i32
        %mul3A_336 = arith.constant 16 : i32
        %mul3A_337 = arith.muli %scan3A_335, %mul3A_336 : i32
        %get3A_338 = arith.index_cast %mul3A_337 : i32 to index
        %get3A_339 = tpu.vector_load %arg7[%get3A_338] {strides = array<i32>} : memref<256xi32, #tpu.memory_space<vmem>>, vector<16xi32>,
        %shift_right_logical3A_340 = arith.constant 1 : i32
        %shift_right_logical3A_341 = vector.broadcast %shift_right_logical3A_340 : i32 to vector<16xi32>
        %shift_right_logical3A_342 = arith.shrui %get3A_339, %shift_right_logical3A_341 : vector<16xi32>
        %swap3A_343 = arith.index_cast %mul3A_337 : i32 to index
        %swap3A_344 = tpu.vector_load %arg9[%swap3A_343] {strides = array<i32>} : memref<256xi32, #tpu.memory_space<vmem>>, vector<16xi32>,
        tpu.vector_store %arg9[%swap3A_343], %shift_right_logical3A_342 {strides = array<i32>} : memref<256xi32, #tpu.memory_space<vmem>>, vector<16xi32>,
        %and3A_345 = arith.constant 1 : i32
        %and3A_346 = vector.broadcast %and3A_345 : i32 to vector<16xi32>
        %and3A_347 = arith.andi %get3A_339, %and3A_346 : vector<16xi32>
        %swap3A_348 = arith.index_cast %mul3A_337 : i32 to index
        %swap3A_349 = tpu.vector_load %arg7[%swap3A_348] {strides = array<i32>} : memref<256xi32, #tpu.memory_space<vmem>>, vector<16xi32>,
        tpu.vector_store %arg7[%swap3A_348], %and3A_347 {strides = array<i32>} : memref<256xi32, #tpu.memory_space<vmem>>, vector<16xi32>,
      }
      %scan3A_72 = arith.constant 16 : i32
      %dma_start3A_73 = arith.constant 0 : i32
      %dma_start3A_74 = arith.constant 0 : i32
      %dma_start3A_75 = tpu.memref_slice %arg3[%dma_start3A_73, %dma_start3A_74] : memref<500000x128xf32, #tpu.memory_space<hbm>> -> memref<500000x128xf32, #tpu.memory_space<hbm>>
      tpu.enqueue_indirect_dma source(%dma_start3A_75 : memref<500000x128xf32, #tpu.memory_space<hbm>>) target(%arg11 : memref<256x128xf32, #tpu.memory_space<vmem>>) offsets(%arg9 : memref<256xi32, #tpu.memory_space<vmem>>) semaphore(%arg13 : memref<!tpu.dma_semaphore, #tpu.memory_space<semaphore_mem>>)
      %dma_wait3A_76 = arith.constant 0 : i32
      %dma_wait3A_77 = arith.constant 0 : i32
      %dma_wait3A_78 = tpu.memref_slice %arg3[%dma_wait3A_76, %dma_wait3A_77] : memref<500000x128xf32, #tpu.memory_space<hbm>> -> memref<500000x128xf32, #tpu.memory_space<hbm>>
      tpu.wait_indirect_dma semaphore(%arg12 : memref<!tpu.dma_semaphore, #tpu.memory_space<semaphore_mem>>) src(%dma_wait3A_78 : memref<500000x128xf32, #tpu.memory_space<hbm>>) dst(%arg10 : memref<256x128xf32, #tpu.memory_space<vmem>>)
      %jit3A_79 = arith.constant 2 : i32
      %div3A_80 = arith.divsi %mul3A_31, %jit3A_79 : i32
      %sign3A_81 = arith.constant 0 : i32
      %sign3A_82 = arith.cmpi sgt, %mul3A_31, %sign3A_81 : i32
      %sign3A_83 = arith.extui %sign3A_82 : i1 to i32
      %sign3A_84 = arith.constant 0 : i32
      %sign3A_85 = arith.cmpi slt, %mul3A_31, %sign3A_84 : i32
      %sign3A_86 = arith.extui %sign3A_85 : i1 to i32
      %sign3A_87 = arith.subi %sign3A_83, %sign3A_86 : i32
      %sign3A_88 = arith.constant 0 : i32
      %sign3A_89 = arith.cmpi sgt, %jit3A_79, %sign3A_88 : i32
      %sign3A_90 = arith.extui %sign3A_89 : i1 to i32
      %sign3A_91 = arith.constant 0 : i32
      %sign3A_92 = arith.cmpi slt, %jit3A_79, %sign3A_91 : i32
      %sign3A_93 = arith.extui %sign3A_92 : i1 to i32
      %sign3A_94 = arith.subi %sign3A_90, %sign3A_93 : i32
      %ne3A_95 = arith.cmpi ne, %sign3A_87, %sign3A_94 : i32
      %rem3A_96 = arith.remsi %mul3A_31, %jit3A_79 : i32
      %ne3A_97 = arith.constant 0 : i32
      %ne3A_98 = arith.cmpi ne, %rem3A_96, %ne3A_97 : i32
      %and3A_99 = arith.andi %ne3A_95, %ne3A_98 : i1
      %sub3A_100 = arith.constant 1 : i32
      %sub3A_101 = arith.subi %div3A_80, %sub3A_100 : i32
      %select_n3A_102 = arith.select %and3A_99, %sub3A_101, %div3A_80 : i32
      %mul3A_103 = arith.constant 16384 : i32
      %mul3A_104 = arith.muli %select_n3A_102, %mul3A_103 : i32
      %add3A_105 = arith.addi %mul3A_104, %mul3A_2 : i32
      %jit3A_106 = arith.constant 2 : i32
      %eq3A_107 = arith.constant 0 : i32
      %eq3A_108 = arith.cmpi eq, %jit3A_106, %eq3A_107 : i32
      %jit3A_109 = arith.constant 1 : i32
      %select_n3A_110 = arith.select %eq3A_108, %jit3A_109, %jit3A_106 : i32
      %rem3A_111 = arith.remsi %mul3A_31, %select_n3A_110 : i32
      %ne3A_112 = arith.constant 0 : i32
      %ne3A_113 = arith.cmpi ne, %rem3A_111, %ne3A_112 : i32
      %lt3A_114 = arith.constant 0 : i32
      %lt3A_115 = arith.cmpi slt, %rem3A_111, %lt3A_114 : i32
      %lt3A_116 = arith.constant 0 : i32
      %lt3A_117 = arith.cmpi slt, %select_n3A_110, %lt3A_116 : i32
      %ne3A_118 = arith.xori %lt3A_115, %lt3A_117 : i1
      %and3A_119 = arith.andi %ne3A_118, %ne3A_113 : i1
      %add3A_120 = arith.addi %rem3A_111, %select_n3A_110 : i32
      %select_n3A_121 = arith.select %and3A_119, %add3A_120, %rem3A_111 : i32
      %mul3A_122 = arith.constant 256 : i32
      %mul3A_123 = arith.muli %select_n3A_121, %mul3A_122 : i32
      %add3A_124 = arith.addi %add3A_105, %mul3A_123 : i32
      %dma_start3A_125 = arith.constant 0 : i32
      %dma_start3A_126 = tpu.memref_slice %arg4[%add3A_124, %dma_start3A_125] : memref<819200x128xf32, #tpu.memory_space<hbm>> -> memref<256x128xf32, #tpu.memory_space<hbm>>
      %dma_start3A_127 = arith.constant 0 : i32
      %dma_start3A_128 = tpu.memref_slice %arg4[%add3A_124, %dma_start3A_127] : memref<819200x128xf32, #tpu.memory_space<hbm>> -> memref<256x128xf32, #tpu.memory_space<hbm>>
      tpu.enqueue_dma source(%arg10 : memref<256x128xf32, #tpu.memory_space<vmem>>) target(%dma_start3A_128 : memref<256x128xf32, #tpu.memory_space<hbm>>) target_semaphore(%arg14 : memref<!tpu.dma_semaphore, #tpu.memory_space<semaphore_mem>>)
      %jit3A_129 = arith.constant 2 : i32
      %div3A_130 = arith.divsi %mul3A_31, %jit3A_129 : i32
      %sign3A_131 = arith.constant 0 : i32
      %sign3A_132 = arith.cmpi sgt, %mul3A_31, %sign3A_131 : i32
      %sign3A_133 = arith.extui %sign3A_132 : i1 to i32
      %sign3A_134 = arith.constant 0 : i32
      %sign3A_135 = arith.cmpi slt, %mul3A_31, %sign3A_134 : i32
      %sign3A_136 = arith.extui %sign3A_135 : i1 to i32
      %sign3A_137 = arith.subi %sign3A_133, %sign3A_136 : i32
      %sign3A_138 = arith.constant 0 : i32
      %sign3A_139 = arith.cmpi sgt, %jit3A_129, %sign3A_138 : i32
      %sign3A_140 = arith.extui %sign3A_139 : i1 to i32
      %sign3A_141 = arith.constant 0 : i32
      %sign3A_142 = arith.cmpi slt, %jit3A_129, %sign3A_141 : i32
      %sign3A_143 = arith.extui %sign3A_142 : i1 to i32
      %sign3A_144 = arith.subi %sign3A_140, %sign3A_143 : i32
      %ne3A_145 = arith.cmpi ne, %sign3A_137, %sign3A_144 : i32
      %rem3A_146 = arith.remsi %mul3A_31, %jit3A_129 : i32
      %ne3A_147 = arith.constant 0 : i32
      %ne3A_148 = arith.cmpi ne, %rem3A_146, %ne3A_147 : i32
      %and3A_149 = arith.andi %ne3A_145, %ne3A_148 : i1
      %sub3A_150 = arith.constant 1 : i32
      %sub3A_151 = arith.subi %div3A_130, %sub3A_150 : i32
      %select_n3A_152 = arith.select %and3A_149, %sub3A_151, %div3A_130 : i32
      %mul3A_153 = arith.constant 16384 : i32
      %mul3A_154 = arith.muli %select_n3A_152, %mul3A_153 : i32
      %add3A_155 = arith.addi %mul3A_154, %mul3A_2 : i32
      %jit3A_156 = arith.constant 2 : i32
      %eq3A_157 = arith.constant 0 : i32
      %eq3A_158 = arith.cmpi eq, %jit3A_156, %eq3A_157 : i32
      %jit3A_159 = arith.constant 1 : i32
      %select_n3A_160 = arith.select %eq3A_158, %jit3A_159, %jit3A_156 : i32
      %rem3A_161 = arith.remsi %mul3A_31, %select_n3A_160 : i32
      %ne3A_162 = arith.constant 0 : i32
      %ne3A_163 = arith.cmpi ne, %rem3A_161, %ne3A_162 : i32
      %lt3A_164 = arith.constant 0 : i32
      %lt3A_165 = arith.cmpi slt, %rem3A_161, %lt3A_164 : i32
      %lt3A_166 = arith.constant 0 : i32
      %lt3A_167 = arith.cmpi slt, %select_n3A_160, %lt3A_166 : i32
      %ne3A_168 = arith.xori %lt3A_165, %lt3A_167 : i1
      %and3A_169 = arith.andi %ne3A_168, %ne3A_163 : i1
      %add3A_170 = arith.addi %rem3A_161, %select_n3A_160 : i32
      %select_n3A_171 = arith.select %and3A_169, %add3A_170, %rem3A_161 : i32
      %mul3A_172 = arith.constant 256 : i32
      %mul3A_173 = arith.muli %select_n3A_171, %mul3A_172 : i32
      %add3A_174 = arith.addi %add3A_155, %mul3A_173 : i32
      %dma_start3A_175 = tpu.memref_slice %arg5[%add3A_174] : memref<819200xi32, #tpu.memory_space<hbm>> -> memref<256xi32, #tpu.memory_space<hbm>>
      %dma_start3A_176 = tpu.memref_slice %arg5[%add3A_174] : memref<819200xi32, #tpu.memory_space<hbm>> -> memref<256xi32, #tpu.memory_space<hbm>>
      tpu.enqueue_dma source(%arg6 : memref<256xi32, #tpu.memory_space<vmem>>) target(%dma_start3A_176 : memref<256xi32, #tpu.memory_space<hbm>>) target_semaphore(%arg14 : memref<!tpu.dma_semaphore, #tpu.memory_space<semaphore_mem>>)
      %add3A_177 = arith.constant 1 : i32
      %add3A_178 = arith.addi %add3A_33, %add3A_177 : i32
      %lt3A_179 = arith.constant 100 : i32
      %lt3A_180 = arith.cmpi slt, %add3A_178, %lt3A_179 : i32
      %convert_element_type3A = arith.extui %lt3A_180 : i1 to i32
      %cond3A = arith.constant 0 : i32
      %cond3A_181 = arith.cmpi ne, %convert_element_type3A, %cond3A : i32
      scf.if %cond3A_181 {
        %dma_wait3A_290 = arith.constant 0 : i32
        %dma_wait3A_291 = tpu.memref_slice %arg4[%mul3A_2, %dma_wait3A_290] : memref<819200x128xf32, #tpu.memory_space<hbm>> -> memref<256x128xf32, #tpu.memory_space<hbm>>
        %dma_wait3A_292 = arith.constant 0 : i32
        %dma_wait3A_293 = tpu.memref_slice %arg4[%mul3A_2, %dma_wait3A_292] : memref<819200x128xf32, #tpu.memory_space<hbm>> -> memref<256x128xf32, #tpu.memory_space<hbm>>
        tpu.wait_dma2 semaphore(%arg14 : memref<!tpu.dma_semaphore, #tpu.memory_space<semaphore_mem>>) src(%arg10 : memref<256x128xf32, #tpu.memory_space<vmem>>) dst(%dma_wait3A_293 : memref<256x128xf32, #tpu.memory_space<hbm>>)
        %dma_wait3A_294 = tpu.memref_slice %arg5[%mul3A_2] : memref<819200xi32, #tpu.memory_space<hbm>> -> memref<256xi32, #tpu.memory_space<hbm>>
        %dma_wait3A_295 = tpu.memref_slice %arg5[%mul3A_2] : memref<819200xi32, #tpu.memory_space<hbm>> -> memref<256xi32, #tpu.memory_space<hbm>>
        tpu.wait_dma2 semaphore(%arg14 : memref<!tpu.dma_semaphore, #tpu.memory_space<semaphore_mem>>) src(%arg6 : memref<256xi32, #tpu.memory_space<vmem>>) dst(%dma_wait3A_295 : memref<256xi32, #tpu.memory_space<hbm>>)
        %add3A_296 = arith.constant 1 : i32
        %add3A_297 = arith.addi %add3A_33, %add3A_296 : i32
        %jit3A_298 = arith.constant 2 : i32
        %div3A_299 = arith.divsi %add3A_297, %jit3A_298 : i32
        %sign3A_300 = arith.constant 0 : i32
        %sign3A_301 = arith.cmpi sgt, %add3A_297, %sign3A_300 : i32
        %sign3A_302 = arith.extui %sign3A_301 : i1 to i32
        %sign3A_303 = arith.constant 0 : i32
        %sign3A_304 = arith.cmpi slt, %add3A_297, %sign3A_303 : i32
        %sign3A_305 = arith.extui %sign3A_304 : i1 to i32
        %sign3A_306 = arith.subi %sign3A_302, %sign3A_305 : i32
        %sign3A_307 = arith.constant 0 : i32
        %sign3A_308 = arith.cmpi sgt, %jit3A_298, %sign3A_307 : i32
        %sign3A_309 = arith.extui %sign3A_308 : i1 to i32
        %sign3A_310 = arith.constant 0 : i32
        %sign3A_311 = arith.cmpi slt, %jit3A_298, %sign3A_310 : i32
        %sign3A_312 = arith.extui %sign3A_311 : i1 to i32
        %sign3A_313 = arith.subi %sign3A_309, %sign3A_312 : i32
        %ne3A_314 = arith.cmpi ne, %sign3A_306, %sign3A_313 : i32
        %rem3A_315 = arith.remsi %add3A_297, %jit3A_298 : i32
        %ne3A_316 = arith.constant 0 : i32
        %ne3A_317 = arith.cmpi ne, %rem3A_315, %ne3A_316 : i32
        %and3A_318 = arith.andi %ne3A_314, %ne3A_317 : i1
        %sub3A_319 = arith.constant 1 : i32
        %sub3A_320 = arith.subi %div3A_299, %sub3A_319 : i32
        %select_n3A_321 = arith.select %and3A_318, %sub3A_320, %div3A_299 : i32
        %jit3A_322 = arith.constant 2 : i32
        %eq3A_323 = arith.constant 0 : i32
        %eq3A_324 = arith.cmpi eq, %jit3A_322, %eq3A_323 : i32
        %jit3A_325 = arith.constant 1 : i32
        %select_n3A_326 = arith.select %eq3A_324, %jit3A_325, %jit3A_322 : i32
        %rem3A_327 = arith.remsi %add3A_297, %select_n3A_326 : i32
        %ne3A_328 = arith.constant 0 : i32
        %ne3A_329 = arith.cmpi ne, %rem3A_327, %ne3A_328 : i32
        %lt3A_330 = arith.constant 0 : i32
        %lt3A_331 = arith.cmpi slt, %rem3A_327, %lt3A_330 : i32
        %lt3A_332 = arith.constant 0 : i32
        %lt3A_333 = arith.cmpi slt, %select_n3A_326, %lt3A_332 : i32
        %ne3A_334 = arith.xori %lt3A_331, %lt3A_333 : i1
        %and3A_335 = arith.andi %ne3A_334, %ne3A_329 : i1
        %add3A_336 = arith.addi %rem3A_327, %select_n3A_326 : i32
        %select_n3A_337 = arith.select %and3A_335, %add3A_336, %rem3A_327 : i32
        %mul3A_338 = arith.constant 256 : i32
        %mul3A_339 = arith.muli %select_n3A_337, %mul3A_338 : i32
        %add3A_340 = arith.addi %mul3A_2, %mul3A_339 : i32
        "tpu.region"() ({
          %run_scoped3A_350 = tpu.sem_alloc : memref<!tpu.dma_semaphore, #tpu.memory_space<semaphore_mem>>
          %dma_start3A_351 = tpu.memref_slice %arg2[%select_n3A_321, %add3A_340] : memref<50x16384xi32, #tpu.memory_space<hbm>> -> memref<1x256xi32, #tpu.memory_space<hbm>>
          %dma_start3A_352 = tpu.memref_squeeze %dma_start3A_351 : memref<1x256xi32, #tpu.memory_space<hbm>> -> memref<256xi32, #tpu.memory_space<hbm>>
          %dma_start3A_353 = tpu.memref_slice %arg2[%select_n3A_321, %add3A_340] : memref<50x16384xi32, #tpu.memory_space<hbm>> -> memref<1x256xi32, #tpu.memory_space<hbm>>
          %dma_start3A_354 = tpu.memref_squeeze %dma_start3A_353 : memref<1x256xi32, #tpu.memory_space<hbm>> -> memref<256xi32, #tpu.memory_space<hbm>>
          tpu.enqueue_dma source(%dma_start3A_354 : memref<256xi32, #tpu.memory_space<hbm>>) target(%arg6 : memref<256xi32, #tpu.memory_space<vmem>>) target_semaphore(%run_scoped3A_350 : memref<!tpu.dma_semaphore, #tpu.memory_space<semaphore_mem>>)
          %dma_wait3A_355 = tpu.memref_slice %arg2[%select_n3A_321, %add3A_340] : memref<50x16384xi32, #tpu.memory_space<hbm>> -> memref<1x256xi32, #tpu.memory_space<hbm>>
          %dma_wait3A_356 = tpu.memref_squeeze %dma_wait3A_355 : memref<1x256xi32, #tpu.memory_space<hbm>> -> memref<256xi32, #tpu.memory_space<hbm>>
          %dma_wait3A_357 = tpu.memref_slice %arg2[%select_n3A_321, %add3A_340] : memref<50x16384xi32, #tpu.memory_space<hbm>> -> memref<1x256xi32, #tpu.memory_space<hbm>>
          %dma_wait3A_358 = tpu.memref_squeeze %dma_wait3A_357 : memref<1x256xi32, #tpu.memory_space<hbm>> -> memref<256xi32, #tpu.memory_space<hbm>>
          tpu.wait_dma2 semaphore(%run_scoped3A_350 : memref<!tpu.dma_semaphore, #tpu.memory_space<semaphore_mem>>) src(%dma_wait3A_358 : memref<256xi32, #tpu.memory_space<hbm>>) dst(%arg6 : memref<256xi32, #tpu.memory_space<vmem>>)
          tpu.yield
        }) : () -> ()
        %scan3A_341 = arith.constant 0 : i32
        %scan3A_342 = arith.constant 0 : i32
        %scan3A_343 = arith.constant 16 : i32
        %scan3A_344 = arith.addi %scan3A_342, %scan3A_343 : i32
        %scan3A_345 = arith.constant 4 : i32
        scf.for %scan3A_350 = %scan3A_342 to %scan3A_344 step %scan3A_345  : i32 {
          %mul3A_351 = arith.constant 16 : i32
          %mul3A_352 = arith.muli %scan3A_350, %mul3A_351 : i32
          %get3A = arith.index_cast %mul3A_352 : i32 to index
          %get3A_353 = tpu.vector_load %arg6[%get3A] {strides = array<i32>} : memref<256xi32, #tpu.memory_space<vmem>>, vector<16xi32>,
          %shift_right_logical3A = arith.constant 1 : i32
          %shift_right_logical3A_354 = vector.broadcast %shift_right_logical3A : i32 to vector<16xi32>
          %shift_right_logical3A_355 = arith.shrui %get3A_353, %shift_right_logical3A_354 : vector<16xi32>
          %swap3A = arith.index_cast %mul3A_352 : i32 to index
          %swap3A_356 = tpu.vector_load %arg8[%swap3A] {strides = array<i32>} : memref<256xi32, #tpu.memory_space<vmem>>, vector<16xi32>,
          tpu.vector_store %arg8[%swap3A], %shift_right_logical3A_355 {strides = array<i32>} : memref<256xi32, #tpu.memory_space<vmem>>, vector<16xi32>,
          %and3A_357 = arith.constant 1 : i32
          %and3A_358 = vector.broadcast %and3A_357 : i32 to vector<16xi32>
          %and3A_359 = arith.andi %get3A_353, %and3A_358 : vector<16xi32>
          %swap3A_360 = arith.index_cast %mul3A_352 : i32 to index
          %swap3A_361 = tpu.vector_load %arg6[%swap3A_360] {strides = array<i32>} : memref<256xi32, #tpu.memory_space<vmem>>, vector<16xi32>,
          tpu.vector_store %arg6[%swap3A_360], %and3A_359 {strides = array<i32>} : memref<256xi32, #tpu.memory_space<vmem>>, vector<16xi32>,
          %scan3A_362 = arith.constant 1 : i32
          %scan3A_363 = arith.addi %scan3A_350, %scan3A_362 : i32
          %mul3A_364 = arith.constant 16 : i32
          %mul3A_365 = arith.muli %scan3A_363, %mul3A_364 : i32
          %get3A_366 = arith.index_cast %mul3A_365 : i32 to index
          %get3A_367 = tpu.vector_load %arg6[%get3A_366] {strides = array<i32>} : memref<256xi32, #tpu.memory_space<vmem>>, vector<16xi32>,
          %shift_right_logical3A_368 = arith.constant 1 : i32
          %shift_right_logical3A_369 = vector.broadcast %shift_right_logical3A_368 : i32 to vector<16xi32>
          %shift_right_logical3A_370 = arith.shrui %get3A_367, %shift_right_logical3A_369 : vector<16xi32>
          %swap3A_371 = arith.index_cast %mul3A_365 : i32 to index
          %swap3A_372 = tpu.vector_load %arg8[%swap3A_371] {strides = array<i32>} : memref<256xi32, #tpu.memory_space<vmem>>, vector<16xi32>,
          tpu.vector_store %arg8[%swap3A_371], %shift_right_logical3A_370 {strides = array<i32>} : memref<256xi32, #tpu.memory_space<vmem>>, vector<16xi32>,
          %and3A_373 = arith.constant 1 : i32
          %and3A_374 = vector.broadcast %and3A_373 : i32 to vector<16xi32>
          %and3A_375 = arith.andi %get3A_367, %and3A_374 : vector<16xi32>
          %swap3A_376 = arith.index_cast %mul3A_365 : i32 to index
          %swap3A_377 = tpu.vector_load %arg6[%swap3A_376] {strides = array<i32>} : memref<256xi32, #tpu.memory_space<vmem>>, vector<16xi32>,
          tpu.vector_store %arg6[%swap3A_376], %and3A_375 {strides = array<i32>} : memref<256xi32, #tpu.memory_space<vmem>>, vector<16xi32>,
          %scan3A_378 = arith.constant 2 : i32
          %scan3A_379 = arith.addi %scan3A_350, %scan3A_378 : i32
          %mul3A_380 = arith.constant 16 : i32
          %mul3A_381 = arith.muli %scan3A_379, %mul3A_380 : i32
          %get3A_382 = arith.index_cast %mul3A_381 : i32 to index
          %get3A_383 = tpu.vector_load %arg6[%get3A_382] {strides = array<i32>} : memref<256xi32, #tpu.memory_space<vmem>>, vector<16xi32>,
          %shift_right_logical3A_384 = arith.constant 1 : i32
          %shift_right_logical3A_385 = vector.broadcast %shift_right_logical3A_384 : i32 to vector<16xi32>
          %shift_right_logical3A_386 = arith.shrui %get3A_383, %shift_right_logical3A_385 : vector<16xi32>
          %swap3A_387 = arith.index_cast %mul3A_381 : i32 to index
          %swap3A_388 = tpu.vector_load %arg8[%swap3A_387] {strides = array<i32>} : memref<256xi32, #tpu.memory_space<vmem>>, vector<16xi32>,
          tpu.vector_store %arg8[%swap3A_387], %shift_right_logical3A_386 {strides = array<i32>} : memref<256xi32, #tpu.memory_space<vmem>>, vector<16xi32>,
          %and3A_389 = arith.constant 1 : i32
          %and3A_390 = vector.broadcast %and3A_389 : i32 to vector<16xi32>
          %and3A_391 = arith.andi %get3A_383, %and3A_390 : vector<16xi32>
          %swap3A_392 = arith.index_cast %mul3A_381 : i32 to index
          %swap3A_393 = tpu.vector_load %arg6[%swap3A_392] {strides = array<i32>} : memref<256xi32, #tpu.memory_space<vmem>>, vector<16xi32>,
          tpu.vector_store %arg6[%swap3A_392], %and3A_391 {strides = array<i32>} : memref<256xi32, #tpu.memory_space<vmem>>, vector<16xi32>,
          %scan3A_394 = arith.constant 3 : i32
          %scan3A_395 = arith.addi %scan3A_350, %scan3A_394 : i32
          %mul3A_396 = arith.constant 16 : i32
          %mul3A_397 = arith.muli %scan3A_395, %mul3A_396 : i32
          %get3A_398 = arith.index_cast %mul3A_397 : i32 to index
          %get3A_399 = tpu.vector_load %arg6[%get3A_398] {strides = array<i32>} : memref<256xi32, #tpu.memory_space<vmem>>, vector<16xi32>,
          %shift_right_logical3A_400 = arith.constant 1 : i32
          %shift_right_logical3A_401 = vector.broadcast %shift_right_logical3A_400 : i32 to vector<16xi32>
          %shift_right_logical3A_402 = arith.shrui %get3A_399, %shift_right_logical3A_401 : vector<16xi32>
          %swap3A_403 = arith.index_cast %mul3A_397 : i32 to index
          %swap3A_404 = tpu.vector_load %arg8[%swap3A_403] {strides = array<i32>} : memref<256xi32, #tpu.memory_space<vmem>>, vector<16xi32>,
          tpu.vector_store %arg8[%swap3A_403], %shift_right_logical3A_402 {strides = array<i32>} : memref<256xi32, #tpu.memory_space<vmem>>, vector<16xi32>,
          %and3A_405 = arith.constant 1 : i32
          %and3A_406 = vector.broadcast %and3A_405 : i32 to vector<16xi32>
          %and3A_407 = arith.andi %get3A_399, %and3A_406 : vector<16xi32>
          %swap3A_408 = arith.index_cast %mul3A_397 : i32 to index
          %swap3A_409 = tpu.vector_load %arg6[%swap3A_408] {strides = array<i32>} : memref<256xi32, #tpu.memory_space<vmem>>, vector<16xi32>,
          tpu.vector_store %arg6[%swap3A_408], %and3A_407 {strides = array<i32>} : memref<256xi32, #tpu.memory_space<vmem>>, vector<16xi32>,
        }
        %scan3A_346 = arith.constant 16 : i32
        %dma_start3A_347 = arith.constant 0 : i32
        %dma_start3A_348 = arith.constant 0 : i32
        %dma_start3A_349 = tpu.memref_slice %arg3[%dma_start3A_347, %dma_start3A_348] : memref<500000x128xf32, #tpu.memory_space<hbm>> -> memref<500000x128xf32, #tpu.memory_space<hbm>>
        tpu.enqueue_indirect_dma source(%dma_start3A_349 : memref<500000x128xf32, #tpu.memory_space<hbm>>) target(%arg10 : memref<256x128xf32, #tpu.memory_space<vmem>>) offsets(%arg8 : memref<256xi32, #tpu.memory_space<vmem>>) semaphore(%arg12 : memref<!tpu.dma_semaphore, #tpu.memory_space<semaphore_mem>>)
      } else {
      }
      %dma_wait3A_182 = arith.constant 0 : i32
      %dma_wait3A_183 = arith.constant 0 : i32
      %dma_wait3A_184 = tpu.memref_slice %arg3[%dma_wait3A_182, %dma_wait3A_183] : memref<500000x128xf32, #tpu.memory_space<hbm>> -> memref<500000x128xf32, #tpu.memory_space<hbm>>
      tpu.wait_indirect_dma semaphore(%arg13 : memref<!tpu.dma_semaphore, #tpu.memory_space<semaphore_mem>>) src(%dma_wait3A_184 : memref<500000x128xf32, #tpu.memory_space<hbm>>) dst(%arg11 : memref<256x128xf32, #tpu.memory_space<vmem>>)
      %jit3A_185 = arith.constant 2 : i32
      %div3A_186 = arith.divsi %add3A_33, %jit3A_185 : i32
      %sign3A_187 = arith.constant 0 : i32
      %sign3A_188 = arith.cmpi sgt, %add3A_33, %sign3A_187 : i32
      %sign3A_189 = arith.extui %sign3A_188 : i1 to i32
      %sign3A_190 = arith.constant 0 : i32
      %sign3A_191 = arith.cmpi slt, %add3A_33, %sign3A_190 : i32
      %sign3A_192 = arith.extui %sign3A_191 : i1 to i32
      %sign3A_193 = arith.subi %sign3A_189, %sign3A_192 : i32
      %sign3A_194 = arith.constant 0 : i32
      %sign3A_195 = arith.cmpi sgt, %jit3A_185, %sign3A_194 : i32
      %sign3A_196 = arith.extui %sign3A_195 : i1 to i32
      %sign3A_197 = arith.constant 0 : i32
      %sign3A_198 = arith.cmpi slt, %jit3A_185, %sign3A_197 : i32
      %sign3A_199 = arith.extui %sign3A_198 : i1 to i32
      %sign3A_200 = arith.subi %sign3A_196, %sign3A_199 : i32
      %ne3A_201 = arith.cmpi ne, %sign3A_193, %sign3A_200 : i32
      %rem3A_202 = arith.remsi %add3A_33, %jit3A_185 : i32
      %ne3A_203 = arith.constant 0 : i32
      %ne3A_204 = arith.cmpi ne, %rem3A_202, %ne3A_203 : i32
      %and3A_205 = arith.andi %ne3A_201, %ne3A_204 : i1
      %sub3A_206 = arith.constant 1 : i32
      %sub3A_207 = arith.subi %div3A_186, %sub3A_206 : i32
      %select_n3A_208 = arith.select %and3A_205, %sub3A_207, %div3A_186 : i32
      %mul3A_209 = arith.constant 16384 : i32
      %mul3A_210 = arith.muli %select_n3A_208, %mul3A_209 : i32
      %add3A_211 = arith.addi %mul3A_210, %mul3A_2 : i32
      %jit3A_212 = arith.constant 2 : i32
      %eq3A_213 = arith.constant 0 : i32
      %eq3A_214 = arith.cmpi eq, %jit3A_212, %eq3A_213 : i32
      %jit3A_215 = arith.constant 1 : i32
      %select_n3A_216 = arith.select %eq3A_214, %jit3A_215, %jit3A_212 : i32
      %rem3A_217 = arith.remsi %add3A_33, %select_n3A_216 : i32
      %ne3A_218 = arith.constant 0 : i32
      %ne3A_219 = arith.cmpi ne, %rem3A_217, %ne3A_218 : i32
      %lt3A_220 = arith.constant 0 : i32
      %lt3A_221 = arith.cmpi slt, %rem3A_217, %lt3A_220 : i32
      %lt3A_222 = arith.constant 0 : i32
      %lt3A_223 = arith.cmpi slt, %select_n3A_216, %lt3A_222 : i32
      %ne3A_224 = arith.xori %lt3A_221, %lt3A_223 : i1
      %and3A_225 = arith.andi %ne3A_224, %ne3A_219 : i1
      %add3A_226 = arith.addi %rem3A_217, %select_n3A_216 : i32
      %select_n3A_227 = arith.select %and3A_225, %add3A_226, %rem3A_217 : i32
      %mul3A_228 = arith.constant 256 : i32
      %mul3A_229 = arith.muli %select_n3A_227, %mul3A_228 : i32
      %add3A_230 = arith.addi %add3A_211, %mul3A_229 : i32
      %dma_start3A_231 = arith.constant 0 : i32
      %dma_start3A_232 = tpu.memref_slice %arg4[%add3A_230, %dma_start3A_231] : memref<819200x128xf32, #tpu.memory_space<hbm>> -> memref<256x128xf32, #tpu.memory_space<hbm>>
      %dma_start3A_233 = arith.constant 0 : i32
      %dma_start3A_234 = tpu.memref_slice %arg4[%add3A_230, %dma_start3A_233] : memref<819200x128xf32, #tpu.memory_space<hbm>> -> memref<256x128xf32, #tpu.memory_space<hbm>>
      tpu.enqueue_dma source(%arg11 : memref<256x128xf32, #tpu.memory_space<vmem>>) target(%dma_start3A_234 : memref<256x128xf32, #tpu.memory_space<hbm>>) target_semaphore(%arg15 : memref<!tpu.dma_semaphore, #tpu.memory_space<semaphore_mem>>)
      %jit3A_235 = arith.constant 2 : i32
      %div3A_236 = arith.divsi %add3A_33, %jit3A_235 : i32
      %sign3A_237 = arith.constant 0 : i32
      %sign3A_238 = arith.cmpi sgt, %add3A_33, %sign3A_237 : i32
      %sign3A_239 = arith.extui %sign3A_238 : i1 to i32
      %sign3A_240 = arith.constant 0 : i32
      %sign3A_241 = arith.cmpi slt, %add3A_33, %sign3A_240 : i32
      %sign3A_242 = arith.extui %sign3A_241 : i1 to i32
      %sign3A_243 = arith.subi %sign3A_239, %sign3A_242 : i32
      %sign3A_244 = arith.constant 0 : i32
      %sign3A_245 = arith.cmpi sgt, %jit3A_235, %sign3A_244 : i32
      %sign3A_246 = arith.extui %sign3A_245 : i1 to i32
      %sign3A_247 = arith.constant 0 : i32
      %sign3A_248 = arith.cmpi slt, %jit3A_235, %sign3A_247 : i32
      %sign3A_249 = arith.extui %sign3A_248 : i1 to i32
      %sign3A_250 = arith.subi %sign3A_246, %sign3A_249 : i32
      %ne3A_251 = arith.cmpi ne, %sign3A_243, %sign3A_250 : i32
      %rem3A_252 = arith.remsi %add3A_33, %jit3A_235 : i32
      %ne3A_253 = arith.constant 0 : i32
      %ne3A_254 = arith.cmpi ne, %rem3A_252, %ne3A_253 : i32
      %and3A_255 = arith.andi %ne3A_251, %ne3A_254 : i1
      %sub3A_256 = arith.constant 1 : i32
      %sub3A_257 = arith.subi %div3A_236, %sub3A_256 : i32
      %select_n3A_258 = arith.select %and3A_255, %sub3A_257, %div3A_236 : i32
      %mul3A_259 = arith.constant 16384 : i32
      %mul3A_260 = arith.muli %select_n3A_258, %mul3A_259 : i32
      %add3A_261 = arith.addi %mul3A_260, %mul3A_2 : i32
      %jit3A_262 = arith.constant 2 : i32
      %eq3A_263 = arith.constant 0 : i32
      %eq3A_264 = arith.cmpi eq, %jit3A_262, %eq3A_263 : i32
      %jit3A_265 = arith.constant 1 : i32
      %select_n3A_266 = arith.select %eq3A_264, %jit3A_265, %jit3A_262 : i32
      %rem3A_267 = arith.remsi %add3A_33, %select_n3A_266 : i32
      %ne3A_268 = arith.constant 0 : i32
      %ne3A_269 = arith.cmpi ne, %rem3A_267, %ne3A_268 : i32
      %lt3A_270 = arith.constant 0 : i32
      %lt3A_271 = arith.cmpi slt, %rem3A_267, %lt3A_270 : i32
      %lt3A_272 = arith.constant 0 : i32
      %lt3A_273 = arith.cmpi slt, %select_n3A_266, %lt3A_272 : i32
      %ne3A_274 = arith.xori %lt3A_271, %lt3A_273 : i1
      %and3A_275 = arith.andi %ne3A_274, %ne3A_269 : i1
      %add3A_276 = arith.addi %rem3A_267, %select_n3A_266 : i32
      %select_n3A_277 = arith.select %and3A_275, %add3A_276, %rem3A_267 : i32
      %mul3A_278 = arith.constant 256 : i32
      %mul3A_279 = arith.muli %select_n3A_277, %mul3A_278 : i32
      %add3A_280 = arith.addi %add3A_261, %mul3A_279 : i32
      %dma_start3A_281 = tpu.memref_slice %arg5[%add3A_280] : memref<819200xi32, #tpu.memory_space<hbm>> -> memref<256xi32, #tpu.memory_space<hbm>>
      %dma_start3A_282 = tpu.memref_slice %arg5[%add3A_280] : memref<819200xi32, #tpu.memory_space<hbm>> -> memref<256xi32, #tpu.memory_space<hbm>>
      tpu.enqueue_dma source(%arg7 : memref<256xi32, #tpu.memory_space<vmem>>) target(%dma_start3A_282 : memref<256xi32, #tpu.memory_space<hbm>>) target_semaphore(%arg15 : memref<!tpu.dma_semaphore, #tpu.memory_space<semaphore_mem>>)
      %add3A_283 = arith.constant 1 : i32
      %add3A_284 = arith.addi %add3A_33, %add3A_283 : i32
      %lt3A_285 = arith.constant 100 : i32
      %lt3A_286 = arith.cmpi slt, %add3A_284, %lt3A_285 : i32
      %convert_element_type3A_287 = arith.extui %lt3A_286 : i1 to i32
      %cond3A_288 = arith.constant 0 : i32
      %cond3A_289 = arith.cmpi ne, %convert_element_type3A_287, %cond3A_288 : i32
      scf.if %cond3A_289 {
        %dma_wait3A_290 = arith.constant 0 : i32
        %dma_wait3A_291 = tpu.memref_slice %arg4[%mul3A_2, %dma_wait3A_290] : memref<819200x128xf32, #tpu.memory_space<hbm>> -> memref<256x128xf32, #tpu.memory_space<hbm>>
        %dma_wait3A_292 = arith.constant 0 : i32
        %dma_wait3A_293 = tpu.memref_slice %arg4[%mul3A_2, %dma_wait3A_292] : memref<819200x128xf32, #tpu.memory_space<hbm>> -> memref<256x128xf32, #tpu.memory_space<hbm>>
        tpu.wait_dma2 semaphore(%arg15 : memref<!tpu.dma_semaphore, #tpu.memory_space<semaphore_mem>>) src(%arg11 : memref<256x128xf32, #tpu.memory_space<vmem>>) dst(%dma_wait3A_293 : memref<256x128xf32, #tpu.memory_space<hbm>>)
        %dma_wait3A_294 = tpu.memref_slice %arg5[%mul3A_2] : memref<819200xi32, #tpu.memory_space<hbm>> -> memref<256xi32, #tpu.memory_space<hbm>>
        %dma_wait3A_295 = tpu.memref_slice %arg5[%mul3A_2] : memref<819200xi32, #tpu.memory_space<hbm>> -> memref<256xi32, #tpu.memory_space<hbm>>
        tpu.wait_dma2 semaphore(%arg15 : memref<!tpu.dma_semaphore, #tpu.memory_space<semaphore_mem>>) src(%arg7 : memref<256xi32, #tpu.memory_space<vmem>>) dst(%dma_wait3A_295 : memref<256xi32, #tpu.memory_space<hbm>>)
      } else {
      }
    }
    %scan3A_17 = arith.constant 50 : i32
    %dma_wait3A = arith.constant 0 : i32
    %dma_wait3A_18 = tpu.memref_slice %arg4[%mul3A_2, %dma_wait3A] : memref<819200x128xf32, #tpu.memory_space<hbm>> -> memref<256x128xf32, #tpu.memory_space<hbm>>
    %dma_wait3A_19 = arith.constant 0 : i32
    %dma_wait3A_20 = tpu.memref_slice %arg4[%mul3A_2, %dma_wait3A_19] : memref<819200x128xf32, #tpu.memory_space<hbm>> -> memref<256x128xf32, #tpu.memory_space<hbm>>
    tpu.wait_dma2 semaphore(%arg14 : memref<!tpu.dma_semaphore, #tpu.memory_space<semaphore_mem>>) src(%arg10 : memref<256x128xf32, #tpu.memory_space<vmem>>) dst(%dma_wait3A_20 : memref<256x128xf32, #tpu.memory_space<hbm>>)
    %dma_wait3A_21 = tpu.memref_slice %arg5[%mul3A_2] : memref<819200xi32, #tpu.memory_space<hbm>> -> memref<256xi32, #tpu.memory_space<hbm>>
    %dma_wait3A_22 = tpu.memref_slice %arg5[%mul3A_2] : memref<819200xi32, #tpu.memory_space<hbm>> -> memref<256xi32, #tpu.memory_space<hbm>>
    tpu.wait_dma2 semaphore(%arg14 : memref<!tpu.dma_semaphore, #tpu.memory_space<semaphore_mem>>) src(%arg6 : memref<256xi32, #tpu.memory_space<vmem>>) dst(%dma_wait3A_22 : memref<256xi32, #tpu.memory_space<hbm>>)
    %dma_wait3A_23 = arith.constant 0 : i32
    %dma_wait3A_24 = tpu.memref_slice %arg4[%mul3A_2, %dma_wait3A_23] : memref<819200x128xf32, #tpu.memory_space<hbm>> -> memref<256x128xf32, #tpu.memory_space<hbm>>
    %dma_wait3A_25 = arith.constant 0 : i32
    %dma_wait3A_26 = tpu.memref_slice %arg4[%mul3A_2, %dma_wait3A_25] : memref<819200x128xf32, #tpu.memory_space<hbm>> -> memref<256x128xf32, #tpu.memory_space<hbm>>
    tpu.wait_dma2 semaphore(%arg15 : memref<!tpu.dma_semaphore, #tpu.memory_space<semaphore_mem>>) src(%arg11 : memref<256x128xf32, #tpu.memory_space<vmem>>) dst(%dma_wait3A_26 : memref<256x128xf32, #tpu.memory_space<hbm>>)
    %dma_wait3A_27 = tpu.memref_slice %arg5[%mul3A_2] : memref<819200xi32, #tpu.memory_space<hbm>> -> memref<256xi32, #tpu.memory_space<hbm>>
    %dma_wait3A_28 = tpu.memref_slice %arg5[%mul3A_2] : memref<819200xi32, #tpu.memory_space<hbm>> -> memref<256xi32, #tpu.memory_space<hbm>>
    tpu.wait_dma2 semaphore(%arg15 : memref<!tpu.dma_semaphore, #tpu.memory_space<semaphore_mem>>) src(%arg7 : memref<256xi32, #tpu.memory_space<vmem>>) dst(%dma_wait3A_28 : memref<256xi32, #tpu.memory_space<hbm>>)
    return
  }
}

module attributes {stable_mosaic.version = 14 : i64} {
  func.func @body(%arg0: i32, %arg1: i32, %arg2: memref<512x512xbf16, #tpu.memory_space<vmem>>, %arg3: memref<512x128xf32, #tpu.memory_space<vmem>>, %arg4: memref<1x1x512xi32, #tpu.memory_space<vmem>>, %arg5: memref<1x64x512xf32, #tpu.memory_space<vmem>>) attributes {dimension_semantics = [#tpu.dimension_semantics<parallel>, #tpu.dimension_semantics<parallel>], iteration_bounds = array<i64: 50, 32>, scalar_prefetch = 0 : i64, scratch_operands = 0 : i64, tpu.core_type = #tpu.core_type<tc>, window_params = [{pipeline_mode = #tpu.pipeline_mode<synchronous>, transform_indices = @transform_0, window_bounds = array<i64: 512, 512>}, {transform_indices = @transform_1, window_bounds = array<i64: 512, 128>}, {transform_indices = @transform_2, window_bounds = array<i64: 1, 1, 512>}, {transform_indices = @transform_3, window_bounds = array<i64: 1, 64, 512>}]} {
    %get3A = arith.constant 0 : index
    %get3A_0 = arith.constant 0 : index
    %get3A_1 = vector.load %arg3[%get3A, %get3A_0] : memref<512x128xf32, #tpu.memory_space<vmem>>, vector<512x128xf32>
    %convert_element_type3A = arith.truncf %get3A_1 : vector<512x128xf32> to vector<512x128xbf16>
    %get3A_2 = arith.constant 0 : index
    %get3A_3 = arith.constant 0 : index
    %get3A_4 = vector.load %arg2[%get3A_2, %get3A_3] : memref<512x512xbf16, #tpu.memory_space<vmem>>, vector<512x512xbf16>
    %dot_general3A = arith.constant dense<0.000000e+00> : vector<128x512xf32>
    %dot_general3A_5 = tpu.matmul %convert_element_type3A, %get3A_4, %dot_general3A {dimension_numbers = #tpu.dot_dimension_numbers<[0], [0], [1], [1], [0, 1, 1, 1], [], []>, transpose_lhs_hint = true} : vector<512x128xbf16>, vector<512x512xbf16>, vector<128x512xf32> -> vector<128x512xf32>
    %get3A_6 = arith.constant 0 : index
    %get3A_7 = arith.constant 0 : index
    %get3A_8 = arith.constant 0 : index
    %get3A_9 = vector.load %arg4[%get3A_6, %get3A_7, %get3A_8] : memref<1x1x512xi32, #tpu.memory_space<vmem>>, vector<1x1x512xi32>
    %get3A_10 = vector.shape_cast %get3A_9 : vector<1x1x512xi32> to vector<1x512xi32>
    %ne3A = arith.constant 0 : i32
    %ne3A_11 = vector.broadcast %ne3A : i32 to vector<1x512xi32>
    %ne3A_12 = arith.cmpi ne, %get3A_10, %ne3A_11 : vector<1x512xi32>
    %slice3A = vector.extract_strided_slice %dot_general3A_5 {offsets = [64, 0], sizes = [64, 512], strides = [1, 1]} : vector<128x512xf32> to vector<64x512xf32>
    %slice3A_13 = vector.extract_strided_slice %dot_general3A_5 {offsets = [0, 0], sizes = [64, 512], strides = [1, 1]} : vector<128x512xf32> to vector<64x512xf32>
    %broadcast_in_dim3A = vector.shape_cast %ne3A_12 : vector<1x512xi1> to vector<1x512xi1>
    %broadcast_in_dim3A_14 = vector.broadcast %broadcast_in_dim3A : vector<1x512xi1> to vector<64x512xi1>
    %select_n3A = arith.select %broadcast_in_dim3A_14, %slice3A, %slice3A_13 : vector<64x512xi1>, vector<64x512xf32>
    %mul3A = arith.constant 8.000000e+00 : f32
    %mul3A_15 = vector.broadcast %mul3A : f32 to vector<64x512xf32>
    %mul3A_16 = arith.mulf %select_n3A, %mul3A_15 : vector<64x512xf32>
    %broadcast_in_dim3A_17 = vector.shape_cast %mul3A_16 : vector<64x512xf32> to vector<1x64x512xf32>
    %swap3A = arith.constant 0 : index
    %swap3A_18 = arith.constant 0 : index
    %swap3A_19 = arith.constant 0 : index
    %swap3A_20 = vector.load %arg5[%swap3A, %swap3A_18, %swap3A_19] : memref<1x64x512xf32, #tpu.memory_space<vmem>>, vector<1x64x512xf32>
    tpu.vector_store %arg5[%swap3A, %swap3A_18, %swap3A_19], %broadcast_in_dim3A_17 {strides = array<i32>} : memref<1x64x512xf32, #tpu.memory_space<vmem>>, vector<1x64x512xf32>,
    return
  }
  func.func @transform_0(%arg0: i32, %arg1: i32) -> (i32, i32) {
    %c0_i32 = arith.constant 0 : i32
    %c0_i32_0 = arith.constant 0 : i32
    %c0_i32_1 = arith.constant 0 : i32
    return %c0_i32, %c0_i32_0 : i32, i32
  }
  func.func @transform_1(%arg0: i32, %arg1: i32) -> (i32, i32) {
    %mul3A = arith.constant 32 : i32
    %mul3A_0 = arith.muli %arg0, %mul3A : i32
    %add3A = arith.addi %mul3A_0, %arg1 : i32
    %c0_i32 = arith.constant 0 : i32
    %c0_i32_1 = arith.constant 0 : i32
    return %add3A, %c0_i32 : i32, i32
  }
  func.func @transform_2(%arg0: i32, %arg1: i32) -> (i32, i32, i32) {
    %mul3A = arith.constant 32 : i32
    %mul3A_0 = arith.muli %arg0, %mul3A : i32
    %add3A = arith.addi %mul3A_0, %arg1 : i32
    %c0_i32 = arith.constant 0 : i32
    %c0_i32_1 = arith.constant 0 : i32
    %c0_i32_2 = arith.constant 0 : i32
    return %add3A, %c0_i32, %c0_i32_1 : i32, i32, i32
  }
  func.func @transform_3(%arg0: i32, %arg1: i32) -> (i32, i32, i32) {
    %c0_i32 = arith.constant 0 : i32
    %c0_i32_0 = arith.constant 0 : i32
    return %arg0, %c0_i32, %arg1 : i32, i32, i32
  }
}

</mosaic_0001>

<sc_bundles>
// kernel: kernel.4.cloned.1.call-start
scs
__scs_entry_jumppad:
0x0: {  	(pc) =	sbr.rel $0x88, $3  }
0x1: {  	(tag) =	ssettag $0x0;
	lr =	simm.s32 $0x1  }
0x2: {  	[smem:$0x3F9F] =	sst lr;
	_ =	strace $0xD0000000  }
0x3: {  	_ = 	snop  }
0x4: {  	_ = 	snop  }
0x5: {  	_ = 	snop  }
0x6: {  	_ = 	snop  }
0x7: {  	_ = 	snop  }
__scs_overlays_trampoline_lowered:
0x8: {  	[smem:$0x3FAE] =	sst s0  }
0x9: {  	[smem:$0x3FAF] =	sst s1  }
0xa: {  	[smem:$0x3FB0] =	sst s2  }
0xb: {  	[smem:$0x3FB1] =	sst s3  }
0xc: {  	[smem:$0x3FB2] =	sst s4  }
0xd: {  	[smem:$0x3FB3] =	sst s5  }
0xe: {  	[smem:$0x3FB4] =	sst s6  }
0xf: {  	[smem:$0x3FB5] =	sst s7  }
0x10: {  	[smem:$0x3FB6] =	sst s8  }
0x11: {  	[smem:$0x3FB7] =	sst s9;
	s0 =	simm.s32 @!p0 $0x0  }
0x12: {  	s1 =	sld [smem:$0x3F9D];
	s0 =	simm.s32 @p0 $0x1  }
0x13: {  	[smem:$0x3FB8] =	sst s0;
	s0 =	simm.s32 @!p1 $0x0  }
0x14: {  	s2 =	sld [smem:$0x3F9C];
	s0 =	simm.s32 @p1 $0x1  }
0x15: {  	[smem:$0x3FB9] =	sst s0;
	s0 =	simm.s32 @!p2 $0x0  }
0x16: {  	s3 =	sld [smem:$0x3FDB];
	s0 =	simm.s32 @p2 $0x1  }
0x17: {  	s4 =	simm.s32 $0x1BF5;
	[smem:$0x3FBB] =	sst s0  }
0x18: {  	s0 =	sld [smem:$0x3F9E];
	_ =	swait.ge [sflag:s4], $0x0  }
0x19: {  	s7 =	sld [smem:$0x3F9F]  }
0x1a: {  	s8 =	sadd.s32 $0xFFFFE003, lr  }
0x1b: {  	s9 =	sadd.s32 $0xFFFFFEF7, lr;
	s5 =	simm.s32 $0xFFFFFFFF;
	p2 =	slt.u32 s8, $0xFFFFF086  }
0x1c: {  	p1 =	slt.u32 s9, $0xF7A;
	s5 =	simm.s32 @!p2 $0x0  }
0x1d: {  	s5 =	simm.s32 @p1 $0x1;
	p0 =	seq.s32 s7, s2  }
0x1e: {  	s7 =	smul.u32 @!p0 $0xF7A, s2;
	p2 =	seq.s32 @!p0 s5, $0x0  }
0x1f: {  	s9 =	smul.u32 $0xF7A, s1;
	s8 =	simm.s32 @!p0 $0x1BF5;
	p2 =	por !p2, p0  }
0x20: {  	[sflag:s8] =	ssyncset.s32 @!p0 $0xFFFFF086;
	s6 =	sadd.s32 @!p0 s3, s7;
	s7 =	simm.s32 @!p0 $0x108  }
0x21: {  	s3 =	sadd.s32 s3, s9;
	s6 =	sadd.s32 @!p0 $0x88, s6;
	s7 =	simm.s32 @p2 $0x1082  }
0x22: {  	[simem:s7], [sflag:s8] =	dma.local @!p0 [hbm:s6], $0xF7A  }
0x23: {  	s9 =	sor.u32 $0xD0000000, s2;
	s6 =	simm.s32 $0x108;
	_ =	swait.ge @!p0 [sflag:s8], $0x0  }
0x24: {  	s3 =	sadd.s32 $0x88, s3;
	s6 =	simm.s32 @!p1 $0x1082;
	[sflag:s4] =	ssyncset.s32 $0xFFFFF086  }
0x25: {  	[simem:s6], [sflag:s4] =	dma.local [hbm:s3], $0xF7A  }
0x26: {  	[smem:$0x3F9F] =	sst s1;
	(tag) =	ssettag s2;
	_ =	strace s9  }
0x27: {  	s1 =	sld [smem:$0x3FAF]  }
0x28: {  	s2 =	sld [smem:$0x3FB0]  }
0x29: {  	s4 =	sld [smem:$0x3FB2]  }
0x2a: {  	p0 =	seq.s32 s5, $0x0;
	s5 =	sld [smem:$0x3FB3]  }
0x2b: {  	s6 =	sld [smem:$0x3FB4]  }
0x2c: {  	s7 =	sld [smem:$0x3FB5]  }
0x2d: {  	s3 =	simm.s32 $0x108;
	s8 =	sld [smem:$0x3FB6]  }
0x2e: {  	s3 =	simm.s32 @!p0 $0x1082;
	s9 =	sld [smem:$0x3FB7]  }
0x2f: {  	lr =	sadd.s32 s0, s3;
	s0 =	sld [smem:$0x3FAE]  }
0x30: {  	s3 =	sld [smem:$0x3FB1]  }
0x31: {  	[smem:$0x3FBA] =	sst s10  }
0x32: {  	s10 =	sld [smem:$0x3FB8];
	_ =	sdelay $0x3  }
0x33: {  	p0 =	seq.s32 s10, $0x1;
	s10 =	sld [smem:$0x3FBA];
	_ =	sdelay $0x3  }
0x34: {  	[smem:$0x3FBA] =	sst s10  }
0x35: {  	s10 =	sld [smem:$0x3FB9];
	_ =	sdelay $0x3  }
0x36: {  	p1 =	seq.s32 s10, $0x1;
	s10 =	sld [smem:$0x3FBA];
	_ =	sdelay $0x3  }
0x37: {  	[smem:$0x3FBA] =	sst s10  }
0x38: {  	s10 =	sld [smem:$0x3FBB]  }
0x39: {  	_ = 	snop;
	(pc) =	sbr.ind lr, $3  }
0x3a: {  	_ = 	snop  }
0x3b: {  	_ = 	snop  }
0x3c: {  	p2 =	seq.s32 s10, $0x1;
	s10 =	sld [smem:$0x3FBA]  }
0x3d: {  	_ =	shalt  }
0x3e: {  	_ =	shalt  }
0x3f: {  	_ =	shalt  }
0x40: {  	_ =	shalt  }
0x41: {  	_ =	shalt  }
0x42: {  	_ =	shalt  }
0x43: {  	_ =	shalt  }
0x44: {  	_ =	shalt  }
0x45: {  	_ =	shalt  }
0x46: {  	_ =	shalt  }
0x47: {  	_ =	shalt  }
0x48: {  	_ =	shalt  }
0x49: {  	_ =	shalt  }
0x4a: {  	_ =	shalt  }
0x4b: {  	_ =	shalt  }
0x4c: {  	_ =	shalt  }
0x4d: {  	_ =	shalt  }
0x4e: {  	_ =	shalt  }
0x4f: {  	_ =	shalt  }
0x50: {  	_ =	shalt  }
0x51: {  	_ =	shalt  }
0x52: {  	_ =	shalt  }
0x53: {  	_ =	shalt  }
0x54: {  	_ =	shalt  }
0x55: {  	_ =	shalt  }
0x56: {  	_ =	shalt  }
0x57: {  	_ =	shalt  }
0x58: {  	_ =	shalt  }
0x59: {  	_ =	shalt  }
0x5a: {  	_ =	shalt  }
0x5b: {  	_ =	shalt  }
0x5c: {  	_ =	shalt  }
0x5d: {  	_ =	shalt  }
0x5e: {  	_ =	shalt  }
0x5f: {  	_ =	shalt  }
0x60: {  	_ =	shalt  }
0x61: {  	_ =	shalt  }
0x62: {  	_ =	shalt  }
0x63: {  	_ =	shalt  }
0x64: {  	_ =	shalt  }
0x65: {  	_ =	shalt  }
0x66: {  	_ =	shalt  }
0x67: {  	_ =	shalt  }
0x68: {  	_ =	shalt  }
0x69: {  	_ =	shalt  }
0x6a: {  	_ =	shalt  }
0x6b: {  	_ =	shalt  }
0x6c: {  	_ =	shalt  }
0x6d: {  	_ =	shalt  }
0x6e: {  	_ =	shalt  }
0x6f: {  	_ =	shalt  }
0x70: {  	_ =	shalt  }
0x71: {  	_ =	shalt  }
0x72: {  	_ =	shalt  }
0x73: {  	_ =	shalt  }
0x74: {  	_ =	shalt  }
0x75: {  	_ =	shalt  }
0x76: {  	_ =	shalt  }
0x77: {  	_ =	shalt  }
0x78: {  	_ =	shalt  }
0x79: {  	_ =	shalt  }
0x7a: {  	_ =	shalt  }
0x7b: {  	_ =	shalt  }
0x7c: {  	_ =	shalt  }
0x7d: {  	_ =	shalt  }
0x7e: {  	_ =	shalt  }
0x7f: {  	_ =	shalt  }
0x80: {  	_ =	shalt  }
0x81: {  	_ =	shalt  }
0x82: {  	_ =	shalt  }
0x83: {  	_ =	shalt  }
0x84: {  	_ =	shalt  }
0x85: {  	_ =	shalt  }
0x86: {  	_ =	shalt  }
0x87: {  	_ =	shalt  }
.Lfunc_end0:
.L_simem_size_0:
called_computation_lowered:
.L_overlay_start_0:
0x88: {  	s2 =	sld [smem:$0x3FD9]  }
0x89: {  	s3 =	sld [smem:$0x3FFE];
	_ =	sdelay $0x1  }
0x8a: {  	s1 =	srdreg.scid  }
0x8b: {  	s0 =	sand.u32 $0x1, s1  }
0x8c: {  	s17 =	sshll.u32 s0, $0xA;
	s2 =	sadd.s32 s3, s2  }
0x8d: {  	s2 =	sadd.s32 s2, s17  }
0x8e: {  	[smem:$0x3FC6] =	sst s2  }
0x8f: {  	_ = 	snop  }
0x90: {  	s2 =	sld [smem:$0x3FC9]  }
0x91: {  	s18 =	sld [smem:$0x3FD0];
	(tm) =	ssettm $0x1  }
0x92: {  	s4 =	sld [smem:$0x3FFB];
	_ =	sdelay $0x3  }
0x93: {  	_ =	strace s4  }
0x94: {  	s4 =	sld [smem:$0x3FFC];
	_ =	sdelay $0x3  }
0x95: {  	_ =	strace s4  }
0x96: {  	s4 =	sld [smem:$0x3FFD];
	_ =	sdelay $0x3  }
0x97: {  	_ =	strace s4  }
0x98: {  	_ =	strace $0x8FFFFFFF  }
0x99: {  	s19 =	sld [smem:$0x3FDB];
	_ =	sdelay $0x1  }
0x9a: {  	s5 =	simm.s32 $_scs_section_size  }
0x9b: {  	s6 =	simm.s32 $_size__tile_overlayer_lowered;
	s7 =	simm.s32 $_tile_overlayer_lowered  }
0x9c: {  	s22 =	simm.s32 $0x1BFF;
	s21 =	sshll.u32 s7, $0x1;
	s4 =	sadd.s32 s5, s19  }
0x9d: {  	s8 =	simm.s32 $0x0;
	s20 =	sshll.u32 s6, $0x1;
	s6 =	sadd.s32 s21, s4  }
0x9e: {  	[timem:s8], [sflag:s22] =	dma.local [hbm:s6], s20  }
0x9f: {  	_ =	swait.ge [sflag:s22], s20  }
0xa0: {  	s5 =	ssub.s32 $0x0, s20;
	[sflag:s22] =	ssyncset.done $0x0  }
0xa1: {  	[sflag:s22] =	ssyncadd.s32 s5;
	_ =	sdelay $0x1  }
0xa2: {  	s23 =	simm.s32 $0x1B8B  }
0xa3: {  	_ =	swait.ge [sflag:s23], $0x1  }
0xa4: {  	[sflag:s23] =	ssyncset.done $0x0  }
0xa5: {  	s25 =	simm.s32 $0x1B8E;
	s24 =	sld [smem:$0x3FFE];
	[sflag:s23] =	ssyncadd.s32 $0xFFFFFFFF  }
0xa6: {  	s26 =	simm.s32 $execute0_lowered;
	[smem:$0x3FD2] =	sst s25  }
0xa7: {  	s6 =	sshll.u32 s26, $0x1;
	_ =	strace $0x80000046;
	[dreg:$0x1] =	wrdreg $0xFFFFFFFF  }
0xa8: {  	s28 =	simm.s32 $_size_execute0_lowered;
	s4 =	sadd.s32 s4, s6;
	[dreg:$0x0] =	wrdreg $0x0  }
0xa9: {  	s6 =	sshll.u32 s28, $0x1;
	[dreg:$0x2] =	wrdreg s4  }
0xaa: {  	[dreg:$0x3] =	wrdreg s6  }
0xab: {  	[dreg:$0x4] =	wrdreg $0xC0  }
0xac: {  	_ =	task [dreg:s8], $0x5FFFF  }
0xad: {  	[dreg:$0x1] =	wrdreg $0xFFFFFFFF  }
0xae: {  	[dreg:$0x0] =	wrdreg $0x60  }
0xaf: {  	[dreg:$0x2] =	wrdreg s2  }
0xb0: {  	[dreg:$0x3] =	wrdreg s24  }
0xb1: {  	[dreg:$0x4] =	wrdreg s18  }
0xb2: {  	[dreg:$0x5] =	wrdreg $0x9  }
0xb3: {  	_ =	task.clear_ibuf [dreg:s8], $0x6FFFF;
	_ =	strace $0x90000046  }
0xb4: {  	s29 =	simm.s32 $0x9;
	_ =	strace $0x80000048  }
0xb5: {  	_ =	swait.ge [sflag:s29], $0x1  }
0xb6: {  	[sflag:s29] =	ssyncadd.s32 $0xFFFFFFFF  }
0xb7: {  	_ =	strace $0x90000048  }
0xb8: {  	_ =	sfence  }
0xb9: {  	s30 =	sld [smem:$0x0];
	_ =	sdelay $0x2  }
0xba: {  	s31 =	sshll.u32 s1, $0xD;
	s1 =	sshrl.u32 s1, $0x2  }
0xbb: {  	s3 =	sand.u32 $0x4000, s31;
	s1 =	sadd.s32 s1, s30  }
0xbc: {  	s0 =	sor.u32 s3, s0;
	s1 =	sshll.u32 s1, $0x11  }
0xbd: {  	s0 =	sor.u32 s1, s0  }
0xbe: {  	s0 =	sadd.s32 $0x8F2B, s0  }
0xbf: {  	[sflag:s0] =	ssyncadd.remote.s32 $0x1  }
0xc0: {  	_ =	sfence.sel $0xFFFF  }
0xc1: {  	[dreg:$0x0] =	wrdreg $0xFFFFFFFF;
	(pc) =	sbr.abs _section_cstart, $3  }
0xc2: {  	[dreg:$0x1] =	wrdreg $0xFFFFFFFF  }
0xc3: {  	_ =	task.clear_ibuf [dreg:s8], $0x2FFFF;
	_ =	strace $0x9FFFFFFF  }
0xc4: {  	(tm) =	ssettm $0x7FFFFFFF  }
0xc5: {  	_ =	shalt  }
tec
execute0_lowered:
.L_overlay_start_1:
0x0: {  	(tag) =	ssettag $0x1  }
0x1: {  	s4 =	rddreg [dreg:$0x0]  }
0x2: {  	s5 =	rddreg [dreg:$0x1]  }
0x3: {  	s9 =	rddreg [dreg:$0x2]  }
0x4: {  	s0 =	rddreg [dreg:$0x3]  }
0x5: {  	s2 =	simm.s32 $0x0;
	s3 =	srdreg.scid;
	s1 =	stileid.u32  }
0x6: {  	s13 =	simm.s32 $0x100;
	s14 =	simm.s32 $0x200;
	s15 =	simm.s32 $0x300  }
0x7: {  	s16 =	simm.s32 $0x8400;
	s17 =	simm.s32 $0x1;
	s18 =	simm.s32 $0x2  }
0x8: {  	s19 =	simm.s32 $0x3;
	s20 =	simm.s32 $0x4;
	s21 =	simm.s32 $0x0  }
0x9: {  	[smem:$0x7FF] =	sst s2;
	s7 =	sand.u32 $0x1, s3;
	s3 =	sadd.s32 $0xF42E00, s5  }
0xa: {  	s6 =	sshll.u32 s1, $0xA;
	s28 =	sshll.u32 s1, $0xE;
	_ =	strace $0x80000047  }
0xb: {  	s8 =	sshll.u32 s7, $0x9;
	s10 =	ssub.s32 $0x2, s7;
	s12 =	sadd.s32 s28, s5  }
0xc: {  	s7 =	sshll.u32 s7, $0xD;
	s8 =	sor.u32 s8, s6;
	s11 =	sshrl.u32 s10, $0x1  }
.Ltmp0:
0xd: {  	s7 =	sadd.s32 s7, s12;
	s12 =	simm.s32 $0x5;
	(pc) =	sbr.rel .LBB2_1-.Ltmp0, $4  }
0xe: {  	s4 =	sadd.s32 s4, s8;
	s29 =	ssub.s32 s10, s11;
	s30 =	sor.u32 $0x100, s8  }
0xf: {  	s31 =	sshrl.u32 s8, $0x3;
	s7 =	sadd.s32 $0xA00, s7;
	s11 =	simm.s32 $0x400  }
0x10: {  	s5 =	sadd.s32 $0x100, s4;
	s6 =	smax.u32 s29, $0x1;
	s10 =	sshrl.u32 s30, $0x3  }
0x11: {  	s8 =	sadd.s32 s10, s9;
	s9 =	sadd.s32 s31, s9;
	s10 =	simm.s32 $0x80  }
.LBB2_6:
0x12: {  	_ =	swait.ge [sflag:s19], $0x8000  }
0x13: {  	[sflag:s19] =	ssyncset.done $0x0  }
0x14: {  	[sflag:s19] =	ssyncadd.s32 $0xFFFF8000  }
0x15: {  	_ =	swait.ge [sflag:s19], $0x100  }
0x16: {  	[sflag:s19] =	ssyncset.done $0x0  }
0x17: {  	s21 =	sadd.s32 $0x1, s21;
	[sflag:s19] =	ssyncadd.s32 $0xFFFFFF00  }
0x18: {  	p0 =	sne.s32 s21, s6;
	_ =	swait.ge [sflag:s20], $0x8000  }
.Ltmp1:
0x19: {  	[sflag:s20] =	ssyncset.done $0x0;
	(pc) =	sbr.rel @!p0 .LBB2_7-.Ltmp1, $4  }
0x1a: {  	[sflag:s20] =	ssyncadd.s32 $0xFFFF8000  }
0x1b: {  	_ =	swait.ge [sflag:s20], $0x100  }
0x1c: {  	[sflag:s20] =	ssyncset.done $0x0  }
0x1d: {  	[sflag:s20] =	ssyncadd.s32 $0xFFFFFF00  }
.LBB2_1:
0x1e: {  	[tilespmem:s2], [sflag:$0x5] =	stream.strided.gather [hbm4b:s4+s10], $0x100, s11, s10, $0x38;
	[tilespmem:$0x10400] =	vst v63  }
0x1f: {  	_ =	swait.ge [sflag:s12], $0x100  }
0x20: {  	[sflag:s12] =	ssyncset.done $0x0  }
0x21: {  	[sflag:s12] =	ssyncadd.s32 $0xFFFFFF00  }
0x22: {  	v0 =	vld [tilespmem:$0x0];
	_ =	sdelay $0x1  }
0x23: {  	v1 =	vld [tilespmem:$0x10];
	_ =	sdelay $0x1  }
0x24: {  	v2 =	vld [tilespmem:$0x20]  }
0x25: {  	v3 =	vshrl.u32 v0, $0x1  }
0x26: {  	v21 =	vld [tilespmem:$0x30];
	v0 =	vand.u32 $0x1, v0;
	[tilespmem:$0x200] =	vst v3  }
0x27: {  	v22 =	vshrl.u32 v1, $0x1;
	[tilespmem:$0x0] =	vst v0  }
0x28: {  	v24 =	vld [tilespmem:$0x40];
	v23 =	vand.u32 $0x1, v1;
	[tilespmem:$0x210] =	vst v22  }
0x29: {  	v25 =	vshrl.u32 v2, $0x1;
	[tilespmem:$0x10] =	vst v23  }
0x2a: {  	v27 =	vld [tilespmem:$0x50];
	v26 =	vand.u32 $0x1, v2;
	[tilespmem:$0x220] =	vst v25  }
0x2b: {  	v28 =	vshrl.u32 v21, $0x1;
	[tilespmem:$0x20] =	vst v26  }
0x2c: {  	v30 =	vld [tilespmem:$0x60];
	v29 =	vand.u32 $0x1, v21;
	[tilespmem:$0x230] =	vst v28  }
0x2d: {  	v31 =	vshrl.u32 v24, $0x1;
	[tilespmem:$0x30] =	vst v29  }
0x2e: {  	v33 =	vld [tilespmem:$0x70];
	v32 =	vand.u32 $0x1, v24;
	[tilespmem:$0x240] =	vst v31  }
0x2f: {  	v34 =	vshrl.u32 v27, $0x1;
	[tilespmem:$0x40] =	vst v32  }
0x30: {  	v36 =	vld [tilespmem:$0x80];
	v35 =	vand.u32 $0x1, v27;
	[tilespmem:$0x250] =	vst v34  }
0x31: {  	v37 =	vshrl.u32 v30, $0x1;
	[tilespmem:$0x50] =	vst v35  }
0x32: {  	v39 =	vld [tilespmem:$0x90];
	v38 =	vand.u32 $0x1, v30;
	[tilespmem:$0x260] =	vst v37  }
0x33: {  	v40 =	vshrl.u32 v33, $0x1;
	[tilespmem:$0x60] =	vst v38  }
0x34: {  	v42 =	vld [tilespmem:$0xA0];
	v41 =	vand.u32 $0x1, v33;
	[tilespmem:$0x270] =	vst v40  }
0x35: {  	v43 =	vshrl.u32 v36, $0x1;
	[tilespmem:$0x70] =	vst v41  }
0x36: {  	v45 =	vld [tilespmem:$0xB0];
	v44 =	vand.u32 $0x1, v36;
	[tilespmem:$0x280] =	vst v43  }
0x37: {  	v46 =	vshrl.u32 v39, $0x1;
	[tilespmem:$0x80] =	vst v44  }
0x38: {  	v48 =	vld [tilespmem:$0xC0];
	v47 =	vand.u32 $0x1, v39;
	[tilespmem:$0x290] =	vst v46  }
0x39: {  	v49 =	vshrl.u32 v42, $0x1;
	[tilespmem:$0x90] =	vst v47  }
0x3a: {  	v51 =	vld [tilespmem:$0xD0];
	v50 =	vand.u32 $0x1, v42;
	[tilespmem:$0x2A0] =	vst v49  }
0x3b: {  	v52 =	vshrl.u32 v45, $0x1;
	[tilespmem:$0xA0] =	vst v50  }
0x3c: {  	v54 =	vld [tilespmem:$0xE0];
	v53 =	vand.u32 $0x1, v45;
	[tilespmem:$0x2B0] =	vst v52  }
0x3d: {  	v55 =	vshrl.u32 v48, $0x1;
	[tilespmem:$0xB0] =	vst v53  }
0x3e: {  	v57 =	vld [tilespmem:$0xF0];
	v56 =	vand.u32 $0x1, v48;
	[tilespmem:$0x2C0] =	vst v55  }
0x3f: {  	v58 =	vshrl.u32 v51, $0x1;
	[tilespmem:$0xC0] =	vst v56  }
0x40: {  	v59 =	vand.u32 $0x1, v51;
	[tilespmem:$0x2D0] =	vst v58  }
0x41: {  	v60 =	vshrl.u32 v54, $0x1;
	[tilespmem:$0xD0] =	vst v59  }
0x42: {  	v61 =	vand.u32 $0x1, v54;
	[tilespmem:$0x2E0] =	vst v60  }
0x43: {  	v62 =	vshrl.u32 v57, $0x1;
	[tilespmem:$0xE0] =	vst v61  }
0x44: {  	v63 =	vand.u32 $0x1, v57;
	[tilespmem:$0x2F0] =	vst v62  }
0x45: {  	s22 =	simm.s32 $0x800;
	s23 =	simm.s32 $0x10;
	s24 =	smov.u32 s7;
	[tilespmem:$0xF0] =	vst v63  }
0x46: {  	[tilespmem:s11], [sflag:$0x1] =	stream.indirect.gather [hbm4b:s3+s13], $0x80, s14, s13, $0xb8;
	[tilespmem:$0x10400] =	vst v63  }
.LBB2_2:
0x47: {  	s25 =	sadd.s32 $0xFFFFF800, s22  }
0x48: {  	s26 =	sadd.s32 $0xFFFFFFF0, s23;
	s25 =	sand.u32 $0x1C000, s25  }
0x49: {  	s26 =	sand.u32 $0x70, s26;
	s25 =	sadd.s32 s25, s5  }
0x4a: {  	s25 =	sadd.s32 s26, s25  }
0x4b: {  	[tilespmem:s13], [sflag:$0x5] =	stream.strided.gather [hbm4b:s25+s10], $0x100, s11, s10, $0x38;
	[tilespmem:$0x10400] =	vst v63  }
0x4c: {  	_ =	swait.ge [sflag:s12], $0x100  }
0x4d: {  	[sflag:s12] =	ssyncset.done $0x0  }
0x4e: {  	[sflag:s12] =	ssyncadd.s32 $0xFFFFFF00  }
0x4f: {  	v0 =	vld [tilespmem:$0x100];
	_ =	sdelay $0x1  }
0x50: {  	v1 =	vld [tilespmem:$0x110];
	_ =	sdelay $0x1  }
0x51: {  	v2 =	vld [tilespmem:$0x120]  }
0x52: {  	v3 =	vshrl.u32 v0, $0x1  }
0x53: {  	v21 =	vld [tilespmem:$0x130];
	v0 =	vand.u32 $0x1, v0;
	[tilespmem:$0x300] =	vst v3  }
0x54: {  	v22 =	vshrl.u32 v1, $0x1;
	[tilespmem:$0x100] =	vst v0  }
0x55: {  	v24 =	vld [tilespmem:$0x140];
	v23 =	vand.u32 $0x1, v1;
	[tilespmem:$0x310] =	vst v22  }
0x56: {  	v25 =	vshrl.u32 v2, $0x1;
	[tilespmem:$0x110] =	vst v23  }
0x57: {  	v27 =	vld [tilespmem:$0x150];
	v26 =	vand.u32 $0x1, v2;
	[tilespmem:$0x320] =	vst v25  }
0x58: {  	v28 =	vshrl.u32 v21, $0x1;
	[tilespmem:$0x120] =	vst v26  }
0x59: {  	v30 =	vld [tilespmem:$0x160];
	v29 =	vand.u32 $0x1, v21;
	[tilespmem:$0x330] =	vst v28  }
0x5a: {  	v31 =	vshrl.u32 v24, $0x1;
	[tilespmem:$0x130] =	vst v29  }
0x5b: {  	v33 =	vld [tilespmem:$0x170];
	v32 =	vand.u32 $0x1, v24;
	[tilespmem:$0x340] =	vst v31  }
0x5c: {  	v34 =	vshrl.u32 v27, $0x1;
	[tilespmem:$0x140] =	vst v32  }
0x5d: {  	v36 =	vld [tilespmem:$0x180];
	v35 =	vand.u32 $0x1, v27;
	[tilespmem:$0x350] =	vst v34  }
0x5e: {  	v37 =	vshrl.u32 v30, $0x1;
	[tilespmem:$0x150] =	vst v35  }
0x5f: {  	v39 =	vld [tilespmem:$0x190];
	v38 =	vand.u32 $0x1, v30;
	[tilespmem:$0x360] =	vst v37  }
0x60: {  	v40 =	vshrl.u32 v33, $0x1;
	[tilespmem:$0x160] =	vst v38  }
0x61: {  	v42 =	vld [tilespmem:$0x1A0];
	v41 =	vand.u32 $0x1, v33;
	[tilespmem:$0x370] =	vst v40  }
0x62: {  	v43 =	vshrl.u32 v36, $0x1;
	[tilespmem:$0x170] =	vst v41  }
0x63: {  	v45 =	vld [tilespmem:$0x1B0];
	v44 =	vand.u32 $0x1, v36;
	[tilespmem:$0x380] =	vst v43  }
0x64: {  	v46 =	vshrl.u32 v39, $0x1;
	[tilespmem:$0x180] =	vst v44  }
0x65: {  	v48 =	vld [tilespmem:$0x1C0];
	v47 =	vand.u32 $0x1, v39;
	[tilespmem:$0x390] =	vst v46  }
0x66: {  	v49 =	vshrl.u32 v42, $0x1;
	[tilespmem:$0x190] =	vst v47  }
0x67: {  	v51 =	vld [tilespmem:$0x1D0];
	v50 =	vand.u32 $0x1, v42;
	[tilespmem:$0x3A0] =	vst v49  }
0x68: {  	v52 =	vshrl.u32 v45, $0x1;
	[tilespmem:$0x1A0] =	vst v50  }
0x69: {  	v54 =	vld [tilespmem:$0x1E0];
	v53 =	vand.u32 $0x1, v45;
	[tilespmem:$0x3B0] =	vst v52  }
0x6a: {  	v55 =	vshrl.u32 v48, $0x1;
	[tilespmem:$0x1B0] =	vst v53  }
0x6b: {  	v57 =	vld [tilespmem:$0x1F0];
	v56 =	vand.u32 $0x1, v48;
	[tilespmem:$0x3C0] =	vst v55  }
0x6c: {  	v58 =	vshrl.u32 v51, $0x1;
	[tilespmem:$0x1C0] =	vst v56  }
0x6d: {  	v59 =	vand.u32 $0x1, v51;
	[tilespmem:$0x3D0] =	vst v58  }
0x6e: {  	v60 =	vshrl.u32 v54, $0x1;
	[tilespmem:$0x1D0] =	vst v59  }
0x6f: {  	v61 =	vand.u32 $0x1, v54;
	[tilespmem:$0x3E0] =	vst v60  }
0x70: {  	v62 =	vshrl.u32 v57, $0x1;
	[tilespmem:$0x1E0] =	vst v61  }
0x71: {  	v63 =	vand.u32 $0x1, v57;
	[tilespmem:$0x3F0] =	vst v62  }
0x72: {  	[tilespmem:$0x1F0] =	vst v63  }
0x73: {  	[tilespmem:s16], [sflag:$0x2] =	stream.indirect.gather [hbm4b:s3+s13], $0x80, s15, s13, $0xb8;
	[tilespmem:$0x10400] =	vst v63  }
0x74: {  	p0 =	seq.s32 s22, $0x19000;
	_ =	swait.ge [sflag:s17], $0x8000  }
.Ltmp2:
0x75: {  	[sflag:s17] =	ssyncset.done $0x0;
	(pc) =	sbr.rel @p0 .LBB2_4-.Ltmp2, $4  }
0x76: {  	s31 =	sadd.s32 s22, s9;
	[sflag:s17] =	ssyncadd.s32 $0xFFFF8000  }
0x77: {  	[hbm4b:s24+s2] =	stream.linear.scatter [tilespmem:s11], [sflag:$0x3], $0x8000, $0x38;
	[tilespmem:$0x10400] =	vst v63  }
0x78: {  	s25 =	sadd.s32 $0xFFFFF800, s31  }
0x79: {  	[hbm4b:s25+s2] =	stream.linear.scatter [tilespmem:s2], [sflag:$0x3], $0x100, $0x38;
	[tilespmem:$0x10400] =	vst v63  }
0x7a: {  	_ =	swait.ge [sflag:s19], $0x8000  }
0x7b: {  	[sflag:s19] =	ssyncset.done $0x0  }
0x7c: {  	[sflag:s19] =	ssyncadd.s32 $0xFFFF8000  }
0x7d: {  	s25 =	sand.u32 $0x3C000, s22;
	s26 =	sand.u32 $0x70, s23;
	_ =	swait.ge [sflag:s19], $0x100  }
0x7e: {  	s25 =	sor.u32 s26, s25;
	[sflag:s19] =	ssyncset.done $0x0  }
0x7f: {  	s25 =	sadd.s32 s25, s4;
	[sflag:s19] =	ssyncadd.s32 $0xFFFFFF00  }
0x80: {  	[tilespmem:s2], [sflag:$0x5] =	stream.strided.gather [hbm4b:s25+s10], $0x100, s11, s10, $0x38;
	[tilespmem:$0x10400] =	vst v63  }
0x81: {  	_ =	swait.ge [sflag:s12], $0x100  }
0x82: {  	[sflag:s12] =	ssyncset.done $0x0  }
0x83: {  	[sflag:s12] =	ssyncadd.s32 $0xFFFFFF00  }
0x84: {  	v0 =	vld [tilespmem:$0x0];
	_ =	sdelay $0x1  }
0x85: {  	v1 =	vld [tilespmem:$0x10];
	_ =	sdelay $0x1  }
0x86: {  	v2 =	vld [tilespmem:$0x20]  }
0x87: {  	v3 =	vshrl.u32 v0, $0x1  }
0x88: {  	v21 =	vld [tilespmem:$0x30];
	v0 =	vand.u32 $0x1, v0;
	[tilespmem:$0x200] =	vst v3  }
0x89: {  	v22 =	vshrl.u32 v1, $0x1;
	[tilespmem:$0x0] =	vst v0  }
0x8a: {  	v24 =	vld [tilespmem:$0x40];
	v23 =	vand.u32 $0x1, v1;
	[tilespmem:$0x210] =	vst v22  }
0x8b: {  	v25 =	vshrl.u32 v2, $0x1;
	[tilespmem:$0x10] =	vst v23  }
0x8c: {  	v27 =	vld [tilespmem:$0x50];
	v26 =	vand.u32 $0x1, v2;
	[tilespmem:$0x220] =	vst v25  }
0x8d: {  	v28 =	vshrl.u32 v21, $0x1;
	[tilespmem:$0x20] =	vst v26  }
0x8e: {  	v30 =	vld [tilespmem:$0x60];
	v29 =	vand.u32 $0x1, v21;
	[tilespmem:$0x230] =	vst v28  }
0x8f: {  	v31 =	vshrl.u32 v24, $0x1;
	[tilespmem:$0x30] =	vst v29  }
0x90: {  	v33 =	vld [tilespmem:$0x70];
	v32 =	vand.u32 $0x1, v24;
	[tilespmem:$0x240] =	vst v31  }
0x91: {  	v34 =	vshrl.u32 v27, $0x1;
	[tilespmem:$0x40] =	vst v32  }
0x92: {  	v36 =	vld [tilespmem:$0x80];
	v35 =	vand.u32 $0x1, v27;
	[tilespmem:$0x250] =	vst v34  }
0x93: {  	v37 =	vshrl.u32 v30, $0x1;
	[tilespmem:$0x50] =	vst v35  }
0x94: {  	v39 =	vld [tilespmem:$0x90];
	v38 =	vand.u32 $0x1, v30;
	[tilespmem:$0x260] =	vst v37  }
0x95: {  	v40 =	vshrl.u32 v33, $0x1;
	[tilespmem:$0x60] =	vst v38  }
0x96: {  	v42 =	vld [tilespmem:$0xA0];
	v41 =	vand.u32 $0x1, v33;
	[tilespmem:$0x270] =	vst v40  }
0x97: {  	v43 =	vshrl.u32 v36, $0x1;
	[tilespmem:$0x70] =	vst v41  }
0x98: {  	v45 =	vld [tilespmem:$0xB0];
	v44 =	vand.u32 $0x1, v36;
	[tilespmem:$0x280] =	vst v43  }
0x99: {  	v46 =	vshrl.u32 v39, $0x1;
	[tilespmem:$0x80] =	vst v44  }
0x9a: {  	v48 =	vld [tilespmem:$0xC0];
	v47 =	vand.u32 $0x1, v39;
	[tilespmem:$0x290] =	vst v46  }
0x9b: {  	v49 =	vshrl.u32 v42, $0x1;
	[tilespmem:$0x90] =	vst v47  }
0x9c: {  	v51 =	vld [tilespmem:$0xD0];
	v50 =	vand.u32 $0x1, v42;
	[tilespmem:$0x2A0] =	vst v49  }
0x9d: {  	v52 =	vshrl.u32 v45, $0x1;
	[tilespmem:$0xA0] =	vst v50  }
0x9e: {  	v54 =	vld [tilespmem:$0xE0];
	v53 =	vand.u32 $0x1, v45;
	[tilespmem:$0x2B0] =	vst v52  }
0x9f: {  	v55 =	vshrl.u32 v48, $0x1;
	[tilespmem:$0xB0] =	vst v53  }
0xa0: {  	v57 =	vld [tilespmem:$0xF0];
	v56 =	vand.u32 $0x1, v48;
	[tilespmem:$0x2C0] =	vst v55  }
0xa1: {  	v58 =	vshrl.u32 v51, $0x1;
	[tilespmem:$0xC0] =	vst v56  }
0xa2: {  	v59 =	vand.u32 $0x1, v51;
	[tilespmem:$0x2D0] =	vst v58  }
0xa3: {  	v60 =	vshrl.u32 v54, $0x1;
	[tilespmem:$0xD0] =	vst v59  }
0xa4: {  	v61 =	vand.u32 $0x1, v54;
	[tilespmem:$0x2E0] =	vst v60  }
0xa5: {  	v62 =	vshrl.u32 v57, $0x1;
	[tilespmem:$0xE0] =	vst v61  }
0xa6: {  	v63 =	vand.u32 $0x1, v57;
	[tilespmem:$0x2F0] =	vst v62  }
0xa7: {  	[tilespmem:$0xF0] =	vst v63  }
0xa8: {  	[tilespmem:s11], [sflag:$0x1] =	stream.indirect.gather [hbm4b:s3+s13], $0x80, s14, s13, $0xb8;
	[tilespmem:$0x10400] =	vst v63  }
.LBB2_4:
0xa9: {  	_ =	swait.ge [sflag:s18], $0x8000  }
.Ltmp3:
0xaa: {  	[sflag:s18] =	ssyncset.done $0x0;
	(pc) =	sbr.rel @p0 .LBB2_6-.Ltmp3, $4  }
0xab: {  	s25 =	sadd.s32 $0x1000, s24;
	s31 =	sadd.s32 s22, s8;
	[sflag:s18] =	ssyncadd.s32 $0xFFFF8000  }
0xac: {  	[hbm4b:s25+s2] =	stream.linear.scatter [tilespmem:s16], [sflag:$0x4], $0x8000, $0x38;
	[tilespmem:$0x10400] =	vst v63  }
0xad: {  	s25 =	sadd.s32 $0xFFFFF800, s31  }
0xae: {  	[hbm4b:s25+s2] =	stream.linear.scatter [tilespmem:s13], [sflag:$0x4], $0x100, $0x38;
	[tilespmem:$0x10400] =	vst v63  }
0xaf: {  	_ =	swait.ge [sflag:s20], $0x8000  }
.Ltmp4:
0xb0: {  	[sflag:s20] =	ssyncset.done $0x0;
	(pc) =	sbr.rel .LBB2_2-.Ltmp4, $4  }
0xb1: {  	[sflag:s20] =	ssyncadd.s32 $0xFFFF8000  }
0xb2: {  	_ =	swait.ge [sflag:s20], $0x100  }
0xb3: {  	s24 =	sadd.s32 $0x40000, s24;
	[sflag:s20] =	ssyncset.done $0x0  }
0xb4: {  	s22 =	sadd.s32 $0x800, s22;
	s23 =	sadd.s32 $0x10, s23;
	[sflag:s20] =	ssyncadd.s32 $0xFFFFFF00  }
.LBB2_7:
0xb5: {  	_ =	sfence.sel $0x180000  }
0xb6: {  	[bflag:$0x0] =	sbarrier.arrive $0xFFFF  }
0xb7: {  	p0 =	sne.s32 s1, $0x0;
	_ =	strace $0x90000047  }
0xb8: {  	s0 =	sadd.s32 @!p0 $0x100000, s0;
	[bflag:$0x2] =	sbarrier.arrive $0xFFFF  }
0xb9: {  	[sflag:s0] =	ssyncadd.tile.s32 @!p0 $0x1;
	_ =	shalt  }
.Lfunc_end2:
_tile_overlayer_lowered:
.L_overlay_start_2:
0xba: {  	(tag) =	ssettag $0x2  }
0xbb: {  	s0 =	rddreg [dreg:$0x0];
	s2 =	stileid.u32  }
0xbc: {  	s1 =	rddreg [dreg:$0x1];
	p0 =	sne.s32 s2, $0x0  }
0xbd: {  	s3 =	rddreg [dreg:$0x2];
	[bflag:$0x3] =	sbarrier.arrive $0xFFFF;
	s2 =	simm.s32 @!p0 $0x1C05  }
0xbe: {  	[timem:s3], [sflag:s2] =	dma.local @!p0 [hbm:s0], s1  }
0xbf: {  	s0 =	simm.s32 @!p0 $0x5  }
0xc0: {  	_ =	swait.ge @!p0 [sflag:s0], s1  }
0xc1: {  	s1 =	ssub.s32 @!p0 $0x0, s1;
	[sflag:s0] =	ssyncset.done @!p0 $0x0  }
0xc2: {  	[sflag:s0] =	ssyncadd.s32 @!p0 s1  }
0xc3: {  	[bflag:$0x3] =	sbarrier.arrive $0xFFFF  }
0xc4: {  	_ =	shalt  }

</sc_bundles>
